<compile_context>
chip_gen: v7x
topology: tpu7x:2x2x1
jax: 0.10.2.dev20260603
libtpu: 0.0.44.dev20260713+nightly
codegen_flags: <defaults>
</compile_context>

<pallas_src>
import functools

import jax
import jax.numpy as jnp
from jax import lax
from jax.experimental import pallas as pl
from jax.experimental.pallas import tpu as pltpu
from jax.experimental.pallas import tpu_sc as plsc

B = 16384
S = 32
D = 128
LANES = 16
VPR = D // LANES

NC = 2
NS = 16
NW = NC * NS
B_PER_W = B // NW

C = 4
ROWS = C * S
N_CHUNK = B_PER_W // C

_SCALE = 1.0 / S


def _make_kernel():
    mesh = plsc.VectorSubcoreMesh(core_axis_name="c", subcore_axis_name="s")

    @functools.partial(
        pl.kernel,
        mesh=mesh,
        out_type=jax.ShapeDtypeStruct((B, D), jnp.float32),
        scratch_types=[
            pltpu.VMEM((ROWS,), jnp.int32),
            pltpu.VMEM((ROWS, D), jnp.float32),
            pltpu.VMEM((C, D), jnp.float32),
            pltpu.SemaphoreType.DMA,
        ],
    )
    def agg(neighs_hbm, table_hbm, out_hbm, idx_v, rows_v, res_v, sem):
        wid = lax.axis_index("s") * NC + lax.axis_index("c")
        w_base = wid * B_PER_W

        def chunk_body(g, _):
            row0 = w_base + g * C
            pltpu.sync_copy(neighs_hbm.at[pl.ds(row0 * S, ROWS)], idx_v)
            pltpu.async_copy(table_hbm.at[idx_v], rows_v, sem).wait()

            for c in range(C):
                def s_body(s, acc):
                    r = c * S + s
                    return tuple(
                        acc[j] + rows_v[r, pl.ds(j * LANES, LANES)]
                        for j in range(VPR)
                    )

                init = tuple(
                    jnp.zeros((LANES,), jnp.float32) for _ in range(VPR)
                )
                acc = lax.fori_loop(0, S, s_body, init)
                for j in range(VPR):
                    res_v[c, pl.ds(j * LANES, LANES)] = acc[j] * _SCALE

            pltpu.sync_copy(res_v, out_hbm.at[pl.ds(row0, C)])
            return 0

        lax.fori_loop(0, N_CHUNK, chunk_body, 0)

    return agg


_agg = _make_kernel()


def kernel(nodes, to_neighs, embed_table):
    del nodes
    neighs_flat = to_neighs.astype(jnp.int32).reshape(B * S)
    return _agg(neighs_flat, embed_table)

# --- scband reference (transcript-rebuilt; emitter-appended) ---
"""Pipeline reference for scband-mean-aggregator-67757404061979 (READ-ONLY COPY).

The authoritative reference and input builder live on the scoring server;
editing this copy changes nothing except your own understanding.
"""

import jax, jax.numpy as jnp
import numpy as np

N_NODES = 100000
FEAT_DIM = 128
NUM_SAMPLE = 32
BATCH = 16384

def setup_inputs(seed: int = 0) -> dict:
    key = jax.random.key(seed)
    k1, k2, k3 = jax.random.split(key, 3)
    nodes = jax.random.randint(k1, (BATCH,), 0, N_NODES, dtype=jnp.int64) if jax.config.jax_enable_x64 else jax.random.randint(k1, (BATCH,), 0, N_NODES, dtype=jnp.int32)
    to_neighs = jax.random.randint(k2, (BATCH, NUM_SAMPLE), 0, N_NODES, dtype=jnp.int32)
    # learned parameter: the feature embedding table (the `features` nn.Embedding in torch)
    embed_table = jax.random.normal(k3, (N_NODES, FEAT_DIM), dtype=jnp.float32)
    return {"nodes": nodes, "to_neighs": to_neighs, "embed_table": embed_table}

def reference(nodes, to_neighs, embed_table):
    # MeanAggregator.forward: for each dst node, sample num_sample neighbors,
    # look up their feature embeddings, and take the mean.
    # The torch code builds a [B, U] row-normalized incidence mask over unique
    # neighbor ids and does mask.mm(embed_matrix); since random.sample draws
    # without replacement, this is exactly the mean over the sampled neighbors.
    neigh_feats = jnp.take(embed_table, to_neighs, axis=0)  # [B, S, d] gather
    to_feats = jnp.mean(neigh_feats, axis=1)                 # [B, d]
    return to_feats

if __name__ == "__main__":
    import jax
    _d = setup_inputs()
    print(jax.jit(kernel)(*tuple(_d.values())))

</pallas_src>

<mosaic_0001>
#map = affine_map<(d0, d1) -> (0)>
#map1 = affine_map<(d0, d1) -> (0, 0)>
module attributes {stable_mosaic.version = 14 : i64} {
  func.func @agg(%arg0: i32, %arg1: i32, %arg2: memref<524288xi32, #tpu.memory_space<hbm>>, %arg3: memref<100000x128xf32, #tpu.memory_space<hbm>>, %arg4: memref<16384x128xf32, #tpu.memory_space<hbm>>, %arg5: memref<128xi32, #tpu.memory_space<vmem>>, %arg6: memref<128x128xf32, #tpu.memory_space<vmem>>, %arg7: memref<4x128xf32, #tpu.memory_space<vmem>>, %arg8: memref<!tpu.dma_semaphore, #tpu.memory_space<semaphore_mem>>) attributes {dimension_semantics = [#tpu.dimension_semantics<core_parallel>, #tpu.dimension_semantics<subcore_parallel>], iteration_bounds = array<i64: 2, 16>, scalar_prefetch = 0 : i64, scratch_operands = 4 : i64, tpu.core_type = #tpu.core_type<sc_vector_subcore>, window_params = [{transform_indices = #map}, {transform_indices = #map1}, {transform_indices = #map1}]} {
    %mul3A = arith.constant 2 : i32
    %mul3A_0 = arith.muli %arg1, %mul3A : i32
    %add3A = arith.addi %mul3A_0, %arg0 : i32
    %mul3A_1 = arith.constant 512 : i32
    %mul3A_2 = arith.muli %add3A, %mul3A_1 : i32
    %scan3A = arith.constant 0 : i32
    %scan3A_3 = arith.constant 0 : i32
    %scan3A_4 = arith.constant 128 : i32
    %scan3A_5 = arith.addi %scan3A_3, %scan3A_4 : i32
    %scan3A_6 = arith.constant 1 : i32
    %scan3A_7 = scf.for %scan3A_9 = %scan3A_3 to %scan3A_5 step %scan3A_6 iter_args(%scan3A_10 = %scan3A) -> (i32)  : i32 {
      %mul3A_11 = arith.constant 4 : i32
      %mul3A_12 = arith.muli %scan3A_9, %mul3A_11 : i32
      %add3A_13 = arith.addi %mul3A_2, %mul3A_12 : i32
      %mul3A_14 = arith.constant 32 : i32
      %mul3A_15 = arith.muli %add3A_13, %mul3A_14 : i32
      "tpu.region"() ({
        %run_scoped3A = tpu.sem_alloc : memref<!tpu.dma_semaphore, #tpu.memory_space<semaphore_mem>>
        %dma_start3A_395 = tpu.memref_slice %arg2[%mul3A_15] : memref<524288xi32, #tpu.memory_space<hbm>> -> memref<128xi32, #tpu.memory_space<hbm>>
        %dma_start3A_396 = tpu.memref_slice %arg2[%mul3A_15] : memref<524288xi32, #tpu.memory_space<hbm>> -> memref<128xi32, #tpu.memory_space<hbm>>
        tpu.enqueue_dma source(%dma_start3A_396 : memref<128xi32, #tpu.memory_space<hbm>>) target(%arg5 : memref<128xi32, #tpu.memory_space<vmem>>) target_semaphore(%run_scoped3A : memref<!tpu.dma_semaphore, #tpu.memory_space<semaphore_mem>>)
        %dma_wait3A_397 = tpu.memref_slice %arg2[%mul3A_15] : memref<524288xi32, #tpu.memory_space<hbm>> -> memref<128xi32, #tpu.memory_space<hbm>>
        %dma_wait3A_398 = tpu.memref_slice %arg2[%mul3A_15] : memref<524288xi32, #tpu.memory_space<hbm>> -> memref<128xi32, #tpu.memory_space<hbm>>
        tpu.wait_dma2 semaphore(%run_scoped3A : memref<!tpu.dma_semaphore, #tpu.memory_space<semaphore_mem>>) src(%dma_wait3A_398 : memref<128xi32, #tpu.memory_space<hbm>>) dst(%arg5 : memref<128xi32, #tpu.memory_space<vmem>>)
        tpu.yield
      }) : () -> ()
      %dma_start3A = arith.constant 0 : i32
      %dma_start3A_16 = arith.constant 0 : i32
      %dma_start3A_17 = tpu.memref_slice %arg3[%dma_start3A, %dma_start3A_16] : memref<100000x128xf32, #tpu.memory_space<hbm>> -> memref<100000x128xf32, #tpu.memory_space<hbm>>
      tpu.enqueue_indirect_dma source(%dma_start3A_17 : memref<100000x128xf32, #tpu.memory_space<hbm>>) target(%arg6 : memref<128x128xf32, #tpu.memory_space<vmem>>) offsets(%arg5 : memref<128xi32, #tpu.memory_space<vmem>>) semaphore(%arg8 : memref<!tpu.dma_semaphore, #tpu.memory_space<semaphore_mem>>)
      %dma_wait3A = arith.constant 0 : i32
      %dma_wait3A_18 = arith.constant 0 : i32
      %dma_wait3A_19 = tpu.memref_slice %arg3[%dma_wait3A, %dma_wait3A_18] : memref<100000x128xf32, #tpu.memory_space<hbm>> -> memref<100000x128xf32, #tpu.memory_space<hbm>>
      tpu.wait_indirect_dma semaphore(%arg8 : memref<!tpu.dma_semaphore, #tpu.memory_space<semaphore_mem>>) src(%dma_wait3A_19 : memref<100000x128xf32, #tpu.memory_space<hbm>>) dst(%arg6 : memref<128x128xf32, #tpu.memory_space<vmem>>)
      %broadcast_in_dim3A = arith.constant 0.000000e+00 : f32
      %broadcast_in_dim3A_20 = vector.broadcast %broadcast_in_dim3A : f32 to vector<16xf32>
      %broadcast_in_dim3A_21 = arith.constant 0.000000e+00 : f32
      %broadcast_in_dim3A_22 = vector.broadcast %broadcast_in_dim3A_21 : f32 to vector<16xf32>
      %broadcast_in_dim3A_23 = arith.constant 0.000000e+00 : f32
      %broadcast_in_dim3A_24 = vector.broadcast %broadcast_in_dim3A_23 : f32 to vector<16xf32>
      %broadcast_in_dim3A_25 = arith.constant 0.000000e+00 : f32
      %broadcast_in_dim3A_26 = vector.broadcast %broadcast_in_dim3A_25 : f32 to vector<16xf32>
      %broadcast_in_dim3A_27 = arith.constant 0.000000e+00 : f32
      %broadcast_in_dim3A_28 = vector.broadcast %broadcast_in_dim3A_27 : f32 to vector<16xf32>
      %broadcast_in_dim3A_29 = arith.constant 0.000000e+00 : f32
      %broadcast_in_dim3A_30 = vector.broadcast %broadcast_in_dim3A_29 : f32 to vector<16xf32>
      %broadcast_in_dim3A_31 = arith.constant 0.000000e+00 : f32
      %broadcast_in_dim3A_32 = vector.broadcast %broadcast_in_dim3A_31 : f32 to vector<16xf32>
      %broadcast_in_dim3A_33 = arith.constant 0.000000e+00 : f32
      %broadcast_in_dim3A_34 = vector.broadcast %broadcast_in_dim3A_33 : f32 to vector<16xf32>
      %scan3A_35 = arith.constant 0 : i32
      %scan3A_36 = arith.constant 32 : i32
      %scan3A_37 = arith.addi %scan3A_35, %scan3A_36 : i32
      %scan3A_38 = arith.constant 1 : i32
      %scan3A_39:8 = scf.for %scan3A_395 = %scan3A_35 to %scan3A_37 step %scan3A_38 iter_args(%scan3A_396 = %broadcast_in_dim3A_20, %scan3A_397 = %broadcast_in_dim3A_22, %scan3A_398 = %broadcast_in_dim3A_24, %scan3A_399 = %broadcast_in_dim3A_26, %scan3A_400 = %broadcast_in_dim3A_28, %scan3A_401 = %broadcast_in_dim3A_30, %scan3A_402 = %broadcast_in_dim3A_32, %scan3A_403 = %broadcast_in_dim3A_34) -> (vector<16xf32>, vector<16xf32>, vector<16xf32>, vector<16xf32>, vector<16xf32>, vector<16xf32>, vector<16xf32>, vector<16xf32>)  : i32 {
        %add3A_404 = arith.constant 0 : i32
        %add3A_405 = arith.addi %add3A_404, %scan3A_395 : i32
        %get3A = arith.index_cast %add3A_405 : i32 to index
        %get3A_406 = arith.constant 0 : index
        %get3A_407 = tpu.vector_load %arg6[%get3A, %get3A_406] {strides = array<i32>} : memref<128x128xf32, #tpu.memory_space<vmem>>, vector<1x16xf32>,
        %get3A_408 = vector.shape_cast %get3A_407 : vector<1x16xf32> to vector<16xf32>
        %add3A_409 = arith.addf %scan3A_396, %get3A_408 : vector<16xf32>
        %get3A_410 = arith.index_cast %add3A_405 : i32 to index
        %get3A_411 = arith.constant 16 : index
        %get3A_412 = tpu.vector_load %arg6[%get3A_410, %get3A_411] {strides = array<i32>} : memref<128x128xf32, #tpu.memory_space<vmem>>, vector<1x16xf32>,
        %get3A_413 = vector.shape_cast %get3A_412 : vector<1x16xf32> to vector<16xf32>
        %add3A_414 = arith.addf %scan3A_397, %get3A_413 : vector<16xf32>
        %get3A_415 = arith.index_cast %add3A_405 : i32 to index
        %get3A_416 = arith.constant 32 : index
        %get3A_417 = tpu.vector_load %arg6[%get3A_415, %get3A_416] {strides = array<i32>} : memref<128x128xf32, #tpu.memory_space<vmem>>, vector<1x16xf32>,
        %get3A_418 = vector.shape_cast %get3A_417 : vector<1x16xf32> to vector<16xf32>
        %add3A_419 = arith.addf %scan3A_398, %get3A_418 : vector<16xf32>
        %get3A_420 = arith.index_cast %add3A_405 : i32 to index
        %get3A_421 = arith.constant 48 : index
        %get3A_422 = tpu.vector_load %arg6[%get3A_420, %get3A_421] {strides = array<i32>} : memref<128x128xf32, #tpu.memory_space<vmem>>, vector<1x16xf32>,
        %get3A_423 = vector.shape_cast %get3A_422 : vector<1x16xf32> to vector<16xf32>
        %add3A_424 = arith.addf %scan3A_399, %get3A_423 : vector<16xf32>
        %get3A_425 = arith.index_cast %add3A_405 : i32 to index
        %get3A_426 = arith.constant 64 : index
        %get3A_427 = tpu.vector_load %arg6[%get3A_425, %get3A_426] {strides = array<i32>} : memref<128x128xf32, #tpu.memory_space<vmem>>, vector<1x16xf32>,
        %get3A_428 = vector.shape_cast %get3A_427 : vector<1x16xf32> to vector<16xf32>
        %add3A_429 = arith.addf %scan3A_400, %get3A_428 : vector<16xf32>
        %get3A_430 = arith.index_cast %add3A_405 : i32 to index
        %get3A_431 = arith.constant 80 : index
        %get3A_432 = tpu.vector_load %arg6[%get3A_430, %get3A_431] {strides = array<i32>} : memref<128x128xf32, #tpu.memory_space<vmem>>, vector<1x16xf32>,
        %get3A_433 = vector.shape_cast %get3A_432 : vector<1x16xf32> to vector<16xf32>
        %add3A_434 = arith.addf %scan3A_401, %get3A_433 : vector<16xf32>
        %get3A_435 = arith.index_cast %add3A_405 : i32 to index
        %get3A_436 = arith.constant 96 : index
        %get3A_437 = tpu.vector_load %arg6[%get3A_435, %get3A_436] {strides = array<i32>} : memref<128x128xf32, #tpu.memory_space<vmem>>, vector<1x16xf32>,
        %get3A_438 = vector.shape_cast %get3A_437 : vector<1x16xf32> to vector<16xf32>
        %add3A_439 = arith.addf %scan3A_402, %get3A_438 : vector<16xf32>
        %get3A_440 = arith.index_cast %add3A_405 : i32 to index
        %get3A_441 = arith.constant 112 : index
        %get3A_442 = tpu.vector_load %arg6[%get3A_440, %get3A_441] {strides = array<i32>} : memref<128x128xf32, #tpu.memory_space<vmem>>, vector<1x16xf32>,
        %get3A_443 = vector.shape_cast %get3A_442 : vector<1x16xf32> to vector<16xf32>
        %add3A_444 = arith.addf %scan3A_403, %get3A_443 : vector<16xf32>
        scf.yield %add3A_409, %add3A_414, %add3A_419, %add3A_424, %add3A_429, %add3A_434, %add3A_439, %add3A_444 : vector<16xf32>, vector<16xf32>, vector<16xf32>, vector<16xf32>, vector<16xf32>, vector<16xf32>, vector<16xf32>, vector<16xf32>
      }
      %scan3A_40 = arith.constant 32 : i32
      %mul3A_41 = arith.constant 3.125000e-02 : f32
      %mul3A_42 = vector.broadcast %mul3A_41 : f32 to vector<16xf32>
      %mul3A_43 = arith.mulf %scan3A_39#0, %mul3A_42 : vector<16xf32>
      %swap3A = arith.constant 0 : i32
      %swap3A_44 = arith.index_cast %swap3A : i32 to index
      %swap3A_45 = arith.constant 0 : index
      %swap3A_46 = tpu.vector_load %arg7[%swap3A_44, %swap3A_45] {strides = array<i32>} : memref<4x128xf32, #tpu.memory_space<vmem>>, vector<1x16xf32>,
      %swap3A_47 = vector.shape_cast %swap3A_46 : vector<1x16xf32> to vector<16xf32>
      %swap3A_48 = vector.shape_cast %mul3A_43 : vector<16xf32> to vector<1x16xf32>
      tpu.vector_store %arg7[%swap3A_44, %swap3A_45], %swap3A_48 {strides = array<i32>} : memref<4x128xf32, #tpu.memory_space<vmem>>, vector<1x16xf32>,
      %mul3A_49 = arith.constant 3.125000e-02 : f32
      %mul3A_50 = vector.broadcast %mul3A_49 : f32 to vector<16xf32>
      %mul3A_51 = arith.mulf %scan3A_39#1, %mul3A_50 : vector<16xf32>
      %swap3A_52 = arith.constant 0 : i32
      %swap3A_53 = arith.index_cast %swap3A_52 : i32 to index
      %swap3A_54 = arith.constant 16 : index
      %swap3A_55 = tpu.vector_load %arg7[%swap3A_53, %swap3A_54] {strides = array<i32>} : memref<4x128xf32, #tpu.memory_space<vmem>>, vector<1x16xf32>,
      %swap3A_56 = vector.shape_cast %swap3A_55 : vector<1x16xf32> to vector<16xf32>
      %swap3A_57 = vector.shape_cast %mul3A_51 : vector<16xf32> to vector<1x16xf32>
      tpu.vector_store %arg7[%swap3A_53, %swap3A_54], %swap3A_57 {strides = array<i32>} : memref<4x128xf32, #tpu.memory_space<vmem>>, vector<1x16xf32>,
      %mul3A_58 = arith.constant 3.125000e-02 : f32
      %mul3A_59 = vector.broadcast %mul3A_58 : f32 to vector<16xf32>
      %mul3A_60 = arith.mulf %scan3A_39#2, %mul3A_59 : vector<16xf32>
      %swap3A_61 = arith.constant 0 : i32
      %swap3A_62 = arith.index_cast %swap3A_61 : i32 to index
      %swap3A_63 = arith.constant 32 : index
      %swap3A_64 = tpu.vector_load %arg7[%swap3A_62, %swap3A_63] {strides = array<i32>} : memref<4x128xf32, #tpu.memory_space<vmem>>, vector<1x16xf32>,
      %swap3A_65 = vector.shape_cast %swap3A_64 : vector<1x16xf32> to vector<16xf32>
      %swap3A_66 = vector.shape_cast %mul3A_60 : vector<16xf32> to vector<1x16xf32>
      tpu.vector_store %arg7[%swap3A_62, %swap3A_63], %swap3A_66 {strides = array<i32>} : memref<4x128xf32, #tpu.memory_space<vmem>>, vector<1x16xf32>,
      %mul3A_67 = arith.constant 3.125000e-02 : f32
      %mul3A_68 = vector.broadcast %mul3A_67 : f32 to vector<16xf32>
      %mul3A_69 = arith.mulf %scan3A_39#3, %mul3A_68 : vector<16xf32>
      %swap3A_70 = arith.constant 0 : i32
      %swap3A_71 = arith.index_cast %swap3A_70 : i32 to index
      %swap3A_72 = arith.constant 48 : index
      %swap3A_73 = tpu.vector_load %arg7[%swap3A_71, %swap3A_72] {strides = array<i32>} : memref<4x128xf32, #tpu.memory_space<vmem>>, vector<1x16xf32>,
      %swap3A_74 = vector.shape_cast %swap3A_73 : vector<1x16xf32> to vector<16xf32>
      %swap3A_75 = vector.shape_cast %mul3A_69 : vector<16xf32> to vector<1x16xf32>
      tpu.vector_store %arg7[%swap3A_71, %swap3A_72], %swap3A_75 {strides = array<i32>} : memref<4x128xf32, #tpu.memory_space<vmem>>, vector<1x16xf32>,
      %mul3A_76 = arith.constant 3.125000e-02 : f32
      %mul3A_77 = vector.broadcast %mul3A_76 : f32 to vector<16xf32>
      %mul3A_78 = arith.mulf %scan3A_39#4, %mul3A_77 : vector<16xf32>
      %swap3A_79 = arith.constant 0 : i32
      %swap3A_80 = arith.index_cast %swap3A_79 : i32 to index
      %swap3A_81 = arith.constant 64 : index
      %swap3A_82 = tpu.vector_load %arg7[%swap3A_80, %swap3A_81] {strides = array<i32>} : memref<4x128xf32, #tpu.memory_space<vmem>>, vector<1x16xf32>,
      %swap3A_83 = vector.shape_cast %swap3A_82 : vector<1x16xf32> to vector<16xf32>
      %swap3A_84 = vector.shape_cast %mul3A_78 : vector<16xf32> to vector<1x16xf32>
      tpu.vector_store %arg7[%swap3A_80, %swap3A_81], %swap3A_84 {strides = array<i32>} : memref<4x128xf32, #tpu.memory_space<vmem>>, vector<1x16xf32>,
      %mul3A_85 = arith.constant 3.125000e-02 : f32
      %mul3A_86 = vector.broadcast %mul3A_85 : f32 to vector<16xf32>
      %mul3A_87 = arith.mulf %scan3A_39#5, %mul3A_86 : vector<16xf32>
      %swap3A_88 = arith.constant 0 : i32
      %swap3A_89 = arith.index_cast %swap3A_88 : i32 to index
      %swap3A_90 = arith.constant 80 : index
      %swap3A_91 = tpu.vector_load %arg7[%swap3A_89, %swap3A_90] {strides = array<i32>} : memref<4x128xf32, #tpu.memory_space<vmem>>, vector<1x16xf32>,
      %swap3A_92 = vector.shape_cast %swap3A_91 : vector<1x16xf32> to vector<16xf32>
      %swap3A_93 = vector.shape_cast %mul3A_87 : vector<16xf32> to vector<1x16xf32>
      tpu.vector_store %arg7[%swap3A_89, %swap3A_90], %swap3A_93 {strides = array<i32>} : memref<4x128xf32, #tpu.memory_space<vmem>>, vector<1x16xf32>,
      %mul3A_94 = arith.constant 3.125000e-02 : f32
      %mul3A_95 = vector.broadcast %mul3A_94 : f32 to vector<16xf32>
      %mul3A_96 = arith.mulf %scan3A_39#6, %mul3A_95 : vector<16xf32>
      %swap3A_97 = arith.constant 0 : i32
      %swap3A_98 = arith.index_cast %swap3A_97 : i32 to index
      %swap3A_99 = arith.constant 96 : index
      %swap3A_100 = tpu.vector_load %arg7[%swap3A_98, %swap3A_99] {strides = array<i32>} : memref<4x128xf32, #tpu.memory_space<vmem>>, vector<1x16xf32>,
      %swap3A_101 = vector.shape_cast %swap3A_100 : vector<1x16xf32> to vector<16xf32>
      %swap3A_102 = vector.shape_cast %mul3A_96 : vector<16xf32> to vector<1x16xf32>
      tpu.vector_store %arg7[%swap3A_98, %swap3A_99], %swap3A_102 {strides = array<i32>} : memref<4x128xf32, #tpu.memory_space<vmem>>, vector<1x16xf32>,
      %mul3A_103 = arith.constant 3.125000e-02 : f32
      %mul3A_104 = vector.broadcast %mul3A_103 : f32 to vector<16xf32>
      %mul3A_105 = arith.mulf %scan3A_39#7, %mul3A_104 : vector<16xf32>
      %swap3A_106 = arith.constant 0 : i32
      %swap3A_107 = arith.index_cast %swap3A_106 : i32 to index
      %swap3A_108 = arith.constant 112 : index
      %swap3A_109 = tpu.vector_load %arg7[%swap3A_107, %swap3A_108] {strides = array<i32>} : memref<4x128xf32, #tpu.memory_space<vmem>>, vector<1x16xf32>,
      %swap3A_110 = vector.shape_cast %swap3A_109 : vector<1x16xf32> to vector<16xf32>
      %swap3A_111 = vector.shape_cast %mul3A_105 : vector<16xf32> to vector<1x16xf32>
      tpu.vector_store %arg7[%swap3A_107, %swap3A_108], %swap3A_111 {strides = array<i32>} : memref<4x128xf32, #tpu.memory_space<vmem>>, vector<1x16xf32>,
      %broadcast_in_dim3A_112 = arith.constant 0.000000e+00 : f32
      %broadcast_in_dim3A_113 = vector.broadcast %broadcast_in_dim3A_112 : f32 to vector<16xf32>
      %broadcast_in_dim3A_114 = arith.constant 0.000000e+00 : f32
      %broadcast_in_dim3A_115 = vector.broadcast %broadcast_in_dim3A_114 : f32 to vector<16xf32>
      %broadcast_in_dim3A_116 = arith.constant 0.000000e+00 : f32
      %broadcast_in_dim3A_117 = vector.broadcast %broadcast_in_dim3A_116 : f32 to vector<16xf32>
      %broadcast_in_dim3A_118 = arith.constant 0.000000e+00 : f32
      %broadcast_in_dim3A_119 = vector.broadcast %broadcast_in_dim3A_118 : f32 to vector<16xf32>
      %broadcast_in_dim3A_120 = arith.constant 0.000000e+00 : f32
      %broadcast_in_dim3A_121 = vector.broadcast %broadcast_in_dim3A_120 : f32 to vector<16xf32>
      %broadcast_in_dim3A_122 = arith.constant 0.000000e+00 : f32
      %broadcast_in_dim3A_123 = vector.broadcast %broadcast_in_dim3A_122 : f32 to vector<16xf32>
      %broadcast_in_dim3A_124 = arith.constant 0.000000e+00 : f32
      %broadcast_in_dim3A_125 = vector.broadcast %broadcast_in_dim3A_124 : f32 to vector<16xf32>
      %broadcast_in_dim3A_126 = arith.constant 0.000000e+00 : f32
      %broadcast_in_dim3A_127 = vector.broadcast %broadcast_in_dim3A_126 : f32 to vector<16xf32>
      %scan3A_128 = arith.constant 0 : i32
      %scan3A_129 = arith.constant 32 : i32
      %scan3A_130 = arith.addi %scan3A_128, %scan3A_129 : i32
      %scan3A_131 = arith.constant 1 : i32
      %scan3A_132:8 = scf.for %scan3A_395 = %scan3A_128 to %scan3A_130 step %scan3A_131 iter_args(%scan3A_396 = %broadcast_in_dim3A_113, %scan3A_397 = %broadcast_in_dim3A_115, %scan3A_398 = %broadcast_in_dim3A_117, %scan3A_399 = %broadcast_in_dim3A_119, %scan3A_400 = %broadcast_in_dim3A_121, %scan3A_401 = %broadcast_in_dim3A_123, %scan3A_402 = %broadcast_in_dim3A_125, %scan3A_403 = %broadcast_in_dim3A_127) -> (vector<16xf32>, vector<16xf32>, vector<16xf32>, vector<16xf32>, vector<16xf32>, vector<16xf32>, vector<16xf32>, vector<16xf32>)  : i32 {
        %add3A_404 = arith.constant 32 : i32
        %add3A_405 = arith.addi %add3A_404, %scan3A_395 : i32
        %get3A = arith.index_cast %add3A_405 : i32 to index
        %get3A_406 = arith.constant 0 : index
        %get3A_407 = tpu.vector_load %arg6[%get3A, %get3A_406] {strides = array<i32>} : memref<128x128xf32, #tpu.memory_space<vmem>>, vector<1x16xf32>,
        %get3A_408 = vector.shape_cast %get3A_407 : vector<1x16xf32> to vector<16xf32>
        %add3A_409 = arith.addf %scan3A_396, %get3A_408 : vector<16xf32>
        %get3A_410 = arith.index_cast %add3A_405 : i32 to index
        %get3A_411 = arith.constant 16 : index
        %get3A_412 = tpu.vector_load %arg6[%get3A_410, %get3A_411] {strides = array<i32>} : memref<128x128xf32, #tpu.memory_space<vmem>>, vector<1x16xf32>,
        %get3A_413 = vector.shape_cast %get3A_412 : vector<1x16xf32> to vector<16xf32>
        %add3A_414 = arith.addf %scan3A_397, %get3A_413 : vector<16xf32>
        %get3A_415 = arith.index_cast %add3A_405 : i32 to index
        %get3A_416 = arith.constant 32 : index
        %get3A_417 = tpu.vector_load %arg6[%get3A_415, %get3A_416] {strides = array<i32>} : memref<128x128xf32, #tpu.memory_space<vmem>>, vector<1x16xf32>,
        %get3A_418 = vector.shape_cast %get3A_417 : vector<1x16xf32> to vector<16xf32>
        %add3A_419 = arith.addf %scan3A_398, %get3A_418 : vector<16xf32>
        %get3A_420 = arith.index_cast %add3A_405 : i32 to index
        %get3A_421 = arith.constant 48 : index
        %get3A_422 = tpu.vector_load %arg6[%get3A_420, %get3A_421] {strides = array<i32>} : memref<128x128xf32, #tpu.memory_space<vmem>>, vector<1x16xf32>,
        %get3A_423 = vector.shape_cast %get3A_422 : vector<1x16xf32> to vector<16xf32>
        %add3A_424 = arith.addf %scan3A_399, %get3A_423 : vector<16xf32>
        %get3A_425 = arith.index_cast %add3A_405 : i32 to index
        %get3A_426 = arith.constant 64 : index
        %get3A_427 = tpu.vector_load %arg6[%get3A_425, %get3A_426] {strides = array<i32>} : memref<128x128xf32, #tpu.memory_space<vmem>>, vector<1x16xf32>,
        %get3A_428 = vector.shape_cast %get3A_427 : vector<1x16xf32> to vector<16xf32>
        %add3A_429 = arith.addf %scan3A_400, %get3A_428 : vector<16xf32>
        %get3A_430 = arith.index_cast %add3A_405 : i32 to index
        %get3A_431 = arith.constant 80 : index
        %get3A_432 = tpu.vector_load %arg6[%get3A_430, %get3A_431] {strides = array<i32>} : memref<128x128xf32, #tpu.memory_space<vmem>>, vector<1x16xf32>,
        %get3A_433 = vector.shape_cast %get3A_432 : vector<1x16xf32> to vector<16xf32>
        %add3A_434 = arith.addf %scan3A_401, %get3A_433 : vector<16xf32>
        %get3A_435 = arith.index_cast %add3A_405 : i32 to index
        %get3A_436 = arith.constant 96 : index
        %get3A_437 = tpu.vector_load %arg6[%get3A_435, %get3A_436] {strides = array<i32>} : memref<128x128xf32, #tpu.memory_space<vmem>>, vector<1x16xf32>,
        %get3A_438 = vector.shape_cast %get3A_437 : vector<1x16xf32> to vector<16xf32>
        %add3A_439 = arith.addf %scan3A_402, %get3A_438 : vector<16xf32>
        %get3A_440 = arith.index_cast %add3A_405 : i32 to index
        %get3A_441 = arith.constant 112 : index
        %get3A_442 = tpu.vector_load %arg6[%get3A_440, %get3A_441] {strides = array<i32>} : memref<128x128xf32, #tpu.memory_space<vmem>>, vector<1x16xf32>,
        %get3A_443 = vector.shape_cast %get3A_442 : vector<1x16xf32> to vector<16xf32>
        %add3A_444 = arith.addf %scan3A_403, %get3A_443 : vector<16xf32>
        scf.yield %add3A_409, %add3A_414, %add3A_419, %add3A_424, %add3A_429, %add3A_434, %add3A_439, %add3A_444 : vector<16xf32>, vector<16xf32>, vector<16xf32>, vector<16xf32>, vector<16xf32>, vector<16xf32>, vector<16xf32>, vector<16xf32>
      }
      %scan3A_133 = arith.constant 32 : i32
      %mul3A_134 = arith.constant 3.125000e-02 : f32
      %mul3A_135 = vector.broadcast %mul3A_134 : f32 to vector<16xf32>
      %mul3A_136 = arith.mulf %scan3A_132#0, %mul3A_135 : vector<16xf32>
      %swap3A_137 = arith.constant 1 : i32
      %swap3A_138 = arith.index_cast %swap3A_137 : i32 to index
      %swap3A_139 = arith.constant 0 : index
      %swap3A_140 = tpu.vector_load %arg7[%swap3A_138, %swap3A_139] {strides = array<i32>} : memref<4x128xf32, #tpu.memory_space<vmem>>, vector<1x16xf32>,
      %swap3A_141 = vector.shape_cast %swap3A_140 : vector<1x16xf32> to vector<16xf32>
      %swap3A_142 = vector.shape_cast %mul3A_136 : vector<16xf32> to vector<1x16xf32>
      tpu.vector_store %arg7[%swap3A_138, %swap3A_139], %swap3A_142 {strides = array<i32>} : memref<4x128xf32, #tpu.memory_space<vmem>>, vector<1x16xf32>,
      %mul3A_143 = arith.constant 3.125000e-02 : f32
      %mul3A_144 = vector.broadcast %mul3A_143 : f32 to vector<16xf32>
      %mul3A_145 = arith.mulf %scan3A_132#1, %mul3A_144 : vector<16xf32>
      %swap3A_146 = arith.constant 1 : i32
      %swap3A_147 = arith.index_cast %swap3A_146 : i32 to index
      %swap3A_148 = arith.constant 16 : index
      %swap3A_149 = tpu.vector_load %arg7[%swap3A_147, %swap3A_148] {strides = array<i32>} : memref<4x128xf32, #tpu.memory_space<vmem>>, vector<1x16xf32>,
      %swap3A_150 = vector.shape_cast %swap3A_149 : vector<1x16xf32> to vector<16xf32>
      %swap3A_151 = vector.shape_cast %mul3A_145 : vector<16xf32> to vector<1x16xf32>
      tpu.vector_store %arg7[%swap3A_147, %swap3A_148], %swap3A_151 {strides = array<i32>} : memref<4x128xf32, #tpu.memory_space<vmem>>, vector<1x16xf32>,
      %mul3A_152 = arith.constant 3.125000e-02 : f32
      %mul3A_153 = vector.broadcast %mul3A_152 : f32 to vector<16xf32>
      %mul3A_154 = arith.mulf %scan3A_132#2, %mul3A_153 : vector<16xf32>
      %swap3A_155 = arith.constant 1 : i32
      %swap3A_156 = arith.index_cast %swap3A_155 : i32 to index
      %swap3A_157 = arith.constant 32 : index
      %swap3A_158 = tpu.vector_load %arg7[%swap3A_156, %swap3A_157] {strides = array<i32>} : memref<4x128xf32, #tpu.memory_space<vmem>>, vector<1x16xf32>,
      %swap3A_159 = vector.shape_cast %swap3A_158 : vector<1x16xf32> to vector<16xf32>
      %swap3A_160 = vector.shape_cast %mul3A_154 : vector<16xf32> to vector<1x16xf32>
      tpu.vector_store %arg7[%swap3A_156, %swap3A_157], %swap3A_160 {strides = array<i32>} : memref<4x128xf32, #tpu.memory_space<vmem>>, vector<1x16xf32>,
      %mul3A_161 = arith.constant 3.125000e-02 : f32
      %mul3A_162 = vector.broadcast %mul3A_161 : f32 to vector<16xf32>
      %mul3A_163 = arith.mulf %scan3A_132#3, %mul3A_162 : vector<16xf32>
      %swap3A_164 = arith.constant 1 : i32
      %swap3A_165 = arith.index_cast %swap3A_164 : i32 to index
      %swap3A_166 = arith.constant 48 : index
      %swap3A_167 = tpu.vector_load %arg7[%swap3A_165, %swap3A_166] {strides = array<i32>} : memref<4x128xf32, #tpu.memory_space<vmem>>, vector<1x16xf32>,
      %swap3A_168 = vector.shape_cast %swap3A_167 : vector<1x16xf32> to vector<16xf32>
      %swap3A_169 = vector.shape_cast %mul3A_163 : vector<16xf32> to vector<1x16xf32>
      tpu.vector_store %arg7[%swap3A_165, %swap3A_166], %swap3A_169 {strides = array<i32>} : memref<4x128xf32, #tpu.memory_space<vmem>>, vector<1x16xf32>,
      %mul3A_170 = arith.constant 3.125000e-02 : f32
      %mul3A_171 = vector.broadcast %mul3A_170 : f32 to vector<16xf32>
      %mul3A_172 = arith.mulf %scan3A_132#4, %mul3A_171 : vector<16xf32>
      %swap3A_173 = arith.constant 1 : i32
      %swap3A_174 = arith.index_cast %swap3A_173 : i32 to index
      %swap3A_175 = arith.constant 64 : index
      %swap3A_176 = tpu.vector_load %arg7[%swap3A_174, %swap3A_175] {strides = array<i32>} : memref<4x128xf32, #tpu.memory_space<vmem>>, vector<1x16xf32>,
      %swap3A_177 = vector.shape_cast %swap3A_176 : vector<1x16xf32> to vector<16xf32>
      %swap3A_178 = vector.shape_cast %mul3A_172 : vector<16xf32> to vector<1x16xf32>
      tpu.vector_store %arg7[%swap3A_174, %swap3A_175], %swap3A_178 {strides = array<i32>} : memref<4x128xf32, #tpu.memory_space<vmem>>, vector<1x16xf32>,
      %mul3A_179 = arith.constant 3.125000e-02 : f32
      %mul3A_180 = vector.broadcast %mul3A_179 : f32 to vector<16xf32>
      %mul3A_181 = arith.mulf %scan3A_132#5, %mul3A_180 : vector<16xf32>
      %swap3A_182 = arith.constant 1 : i32
      %swap3A_183 = arith.index_cast %swap3A_182 : i32 to index
      %swap3A_184 = arith.constant 80 : index
      %swap3A_185 = tpu.vector_load %arg7[%swap3A_183, %swap3A_184] {strides = array<i32>} : memref<4x128xf32, #tpu.memory_space<vmem>>, vector<1x16xf32>,
      %swap3A_186 = vector.shape_cast %swap3A_185 : vector<1x16xf32> to vector<16xf32>
      %swap3A_187 = vector.shape_cast %mul3A_181 : vector<16xf32> to vector<1x16xf32>
      tpu.vector_store %arg7[%swap3A_183, %swap3A_184], %swap3A_187 {strides = array<i32>} : memref<4x128xf32, #tpu.memory_space<vmem>>, vector<1x16xf32>,
      %mul3A_188 = arith.constant 3.125000e-02 : f32
      %mul3A_189 = vector.broadcast %mul3A_188 : f32 to vector<16xf32>
      %mul3A_190 = arith.mulf %scan3A_132#6, %mul3A_189 : vector<16xf32>
      %swap3A_191 = arith.constant 1 : i32
      %swap3A_192 = arith.index_cast %swap3A_191 : i32 to index
      %swap3A_193 = arith.constant 96 : index
      %swap3A_194 = tpu.vector_load %arg7[%swap3A_192, %swap3A_193] {strides = array<i32>} : memref<4x128xf32, #tpu.memory_space<vmem>>, vector<1x16xf32>,
      %swap3A_195 = vector.shape_cast %swap3A_194 : vector<1x16xf32> to vector<16xf32>
      %swap3A_196 = vector.shape_cast %mul3A_190 : vector<16xf32> to vector<1x16xf32>
      tpu.vector_store %arg7[%swap3A_192, %swap3A_193], %swap3A_196 {strides = array<i32>} : memref<4x128xf32, #tpu.memory_space<vmem>>, vector<1x16xf32>,
      %mul3A_197 = arith.constant 3.125000e-02 : f32
      %mul3A_198 = vector.broadcast %mul3A_197 : f32 to vector<16xf32>
      %mul3A_199 = arith.mulf %scan3A_132#7, %mul3A_198 : vector<16xf32>
      %swap3A_200 = arith.constant 1 : i32
      %swap3A_201 = arith.index_cast %swap3A_200 : i32 to index
      %swap3A_202 = arith.constant 112 : index
      %swap3A_203 = tpu.vector_load %arg7[%swap3A_201, %swap3A_202] {strides = array<i32>} : memref<4x128xf32, #tpu.memory_space<vmem>>, vector<1x16xf32>,
      %swap3A_204 = vector.shape_cast %swap3A_203 : vector<1x16xf32> to vector<16xf32>
      %swap3A_205 = vector.shape_cast %mul3A_199 : vector<16xf32> to vector<1x16xf32>
      tpu.vector_store %arg7[%swap3A_201, %swap3A_202], %swap3A_205 {strides = array<i32>} : memref<4x128xf32, #tpu.memory_space<vmem>>, vector<1x16xf32>,
      %broadcast_in_dim3A_206 = arith.constant 0.000000e+00 : f32
      %broadcast_in_dim3A_207 = vector.broadcast %broadcast_in_dim3A_206 : f32 to vector<16xf32>
      %broadcast_in_dim3A_208 = arith.constant 0.000000e+00 : f32
      %broadcast_in_dim3A_209 = vector.broadcast %broadcast_in_dim3A_208 : f32 to vector<16xf32>
      %broadcast_in_dim3A_210 = arith.constant 0.000000e+00 : f32
      %broadcast_in_dim3A_211 = vector.broadcast %broadcast_in_dim3A_210 : f32 to vector<16xf32>
      %broadcast_in_dim3A_212 = arith.constant 0.000000e+00 : f32
      %broadcast_in_dim3A_213 = vector.broadcast %broadcast_in_dim3A_212 : f32 to vector<16xf32>
      %broadcast_in_dim3A_214 = arith.constant 0.000000e+00 : f32
      %broadcast_in_dim3A_215 = vector.broadcast %broadcast_in_dim3A_214 : f32 to vector<16xf32>
      %broadcast_in_dim3A_216 = arith.constant 0.000000e+00 : f32
      %broadcast_in_dim3A_217 = vector.broadcast %broadcast_in_dim3A_216 : f32 to vector<16xf32>
      %broadcast_in_dim3A_218 = arith.constant 0.000000e+00 : f32
      %broadcast_in_dim3A_219 = vector.broadcast %broadcast_in_dim3A_218 : f32 to vector<16xf32>
      %broadcast_in_dim3A_220 = arith.constant 0.000000e+00 : f32
      %broadcast_in_dim3A_221 = vector.broadcast %broadcast_in_dim3A_220 : f32 to vector<16xf32>
      %scan3A_222 = arith.constant 0 : i32
      %scan3A_223 = arith.constant 32 : i32
      %scan3A_224 = arith.addi %scan3A_222, %scan3A_223 : i32
      %scan3A_225 = arith.constant 1 : i32
      %scan3A_226:8 = scf.for %scan3A_395 = %scan3A_222 to %scan3A_224 step %scan3A_225 iter_args(%scan3A_396 = %broadcast_in_dim3A_207, %scan3A_397 = %broadcast_in_dim3A_209, %scan3A_398 = %broadcast_in_dim3A_211, %scan3A_399 = %broadcast_in_dim3A_213, %scan3A_400 = %broadcast_in_dim3A_215, %scan3A_401 = %broadcast_in_dim3A_217, %scan3A_402 = %broadcast_in_dim3A_219, %scan3A_403 = %broadcast_in_dim3A_221) -> (vector<16xf32>, vector<16xf32>, vector<16xf32>, vector<16xf32>, vector<16xf32>, vector<16xf32>, vector<16xf32>, vector<16xf32>)  : i32 {
        %add3A_404 = arith.constant 64 : i32
        %add3A_405 = arith.addi %add3A_404, %scan3A_395 : i32
        %get3A = arith.index_cast %add3A_405 : i32 to index
        %get3A_406 = arith.constant 0 : index
        %get3A_407 = tpu.vector_load %arg6[%get3A, %get3A_406] {strides = array<i32>} : memref<128x128xf32, #tpu.memory_space<vmem>>, vector<1x16xf32>,
        %get3A_408 = vector.shape_cast %get3A_407 : vector<1x16xf32> to vector<16xf32>
        %add3A_409 = arith.addf %scan3A_396, %get3A_408 : vector<16xf32>
        %get3A_410 = arith.index_cast %add3A_405 : i32 to index
        %get3A_411 = arith.constant 16 : index
        %get3A_412 = tpu.vector_load %arg6[%get3A_410, %get3A_411] {strides = array<i32>} : memref<128x128xf32, #tpu.memory_space<vmem>>, vector<1x16xf32>,
        %get3A_413 = vector.shape_cast %get3A_412 : vector<1x16xf32> to vector<16xf32>
        %add3A_414 = arith.addf %scan3A_397, %get3A_413 : vector<16xf32>
        %get3A_415 = arith.index_cast %add3A_405 : i32 to index
        %get3A_416 = arith.constant 32 : index
        %get3A_417 = tpu.vector_load %arg6[%get3A_415, %get3A_416] {strides = array<i32>} : memref<128x128xf32, #tpu.memory_space<vmem>>, vector<1x16xf32>,
        %get3A_418 = vector.shape_cast %get3A_417 : vector<1x16xf32> to vector<16xf32>
        %add3A_419 = arith.addf %scan3A_398, %get3A_418 : vector<16xf32>
        %get3A_420 = arith.index_cast %add3A_405 : i32 to index
        %get3A_421 = arith.constant 48 : index
        %get3A_422 = tpu.vector_load %arg6[%get3A_420, %get3A_421] {strides = array<i32>} : memref<128x128xf32, #tpu.memory_space<vmem>>, vector<1x16xf32>,
        %get3A_423 = vector.shape_cast %get3A_422 : vector<1x16xf32> to vector<16xf32>
        %add3A_424 = arith.addf %scan3A_399, %get3A_423 : vector<16xf32>
        %get3A_425 = arith.index_cast %add3A_405 : i32 to index
        %get3A_426 = arith.constant 64 : index
        %get3A_427 = tpu.vector_load %arg6[%get3A_425, %get3A_426] {strides = array<i32>} : memref<128x128xf32, #tpu.memory_space<vmem>>, vector<1x16xf32>,
        %get3A_428 = vector.shape_cast %get3A_427 : vector<1x16xf32> to vector<16xf32>
        %add3A_429 = arith.addf %scan3A_400, %get3A_428 : vector<16xf32>
        %get3A_430 = arith.index_cast %add3A_405 : i32 to index
        %get3A_431 = arith.constant 80 : index
        %get3A_432 = tpu.vector_load %arg6[%get3A_430, %get3A_431] {strides = array<i32>} : memref<128x128xf32, #tpu.memory_space<vmem>>, vector<1x16xf32>,
        %get3A_433 = vector.shape_cast %get3A_432 : vector<1x16xf32> to vector<16xf32>
        %add3A_434 = arith.addf %scan3A_401, %get3A_433 : vector<16xf32>
        %get3A_435 = arith.index_cast %add3A_405 : i32 to index
        %get3A_436 = arith.constant 96 : index
        %get3A_437 = tpu.vector_load %arg6[%get3A_435, %get3A_436] {strides = array<i32>} : memref<128x128xf32, #tpu.memory_space<vmem>>, vector<1x16xf32>,
        %get3A_438 = vector.shape_cast %get3A_437 : vector<1x16xf32> to vector<16xf32>
        %add3A_439 = arith.addf %scan3A_402, %get3A_438 : vector<16xf32>
        %get3A_440 = arith.index_cast %add3A_405 : i32 to index
        %get3A_441 = arith.constant 112 : index
        %get3A_442 = tpu.vector_load %arg6[%get3A_440, %get3A_441] {strides = array<i32>} : memref<128x128xf32, #tpu.memory_space<vmem>>, vector<1x16xf32>,
        %get3A_443 = vector.shape_cast %get3A_442 : vector<1x16xf32> to vector<16xf32>
        %add3A_444 = arith.addf %scan3A_403, %get3A_443 : vector<16xf32>
        scf.yield %add3A_409, %add3A_414, %add3A_419, %add3A_424, %add3A_429, %add3A_434, %add3A_439, %add3A_444 : vector<16xf32>, vector<16xf32>, vector<16xf32>, vector<16xf32>, vector<16xf32>, vector<16xf32>, vector<16xf32>, vector<16xf32>
      }
      %scan3A_227 = arith.constant 32 : i32
      %mul3A_228 = arith.constant 3.125000e-02 : f32
      %mul3A_229 = vector.broadcast %mul3A_228 : f32 to vector<16xf32>
      %mul3A_230 = arith.mulf %scan3A_226#0, %mul3A_229 : vector<16xf32>
      %swap3A_231 = arith.constant 2 : i32
      %swap3A_232 = arith.index_cast %swap3A_231 : i32 to index
      %swap3A_233 = arith.constant 0 : index
      %swap3A_234 = tpu.vector_load %arg7[%swap3A_232, %swap3A_233] {strides = array<i32>} : memref<4x128xf32, #tpu.memory_space<vmem>>, vector<1x16xf32>,
      %swap3A_235 = vector.shape_cast %swap3A_234 : vector<1x16xf32> to vector<16xf32>
      %swap3A_236 = vector.shape_cast %mul3A_230 : vector<16xf32> to vector<1x16xf32>
      tpu.vector_store %arg7[%swap3A_232, %swap3A_233], %swap3A_236 {strides = array<i32>} : memref<4x128xf32, #tpu.memory_space<vmem>>, vector<1x16xf32>,
      %mul3A_237 = arith.constant 3.125000e-02 : f32
      %mul3A_238 = vector.broadcast %mul3A_237 : f32 to vector<16xf32>
      %mul3A_239 = arith.mulf %scan3A_226#1, %mul3A_238 : vector<16xf32>
      %swap3A_240 = arith.constant 2 : i32
      %swap3A_241 = arith.index_cast %swap3A_240 : i32 to index
      %swap3A_242 = arith.constant 16 : index
      %swap3A_243 = tpu.vector_load %arg7[%swap3A_241, %swap3A_242] {strides = array<i32>} : memref<4x128xf32, #tpu.memory_space<vmem>>, vector<1x16xf32>,
      %swap3A_244 = vector.shape_cast %swap3A_243 : vector<1x16xf32> to vector<16xf32>
      %swap3A_245 = vector.shape_cast %mul3A_239 : vector<16xf32> to vector<1x16xf32>
      tpu.vector_store %arg7[%swap3A_241, %swap3A_242], %swap3A_245 {strides = array<i32>} : memref<4x128xf32, #tpu.memory_space<vmem>>, vector<1x16xf32>,
      %mul3A_246 = arith.constant 3.125000e-02 : f32
      %mul3A_247 = vector.broadcast %mul3A_246 : f32 to vector<16xf32>
      %mul3A_248 = arith.mulf %scan3A_226#2, %mul3A_247 : vector<16xf32>
      %swap3A_249 = arith.constant 2 : i32
      %swap3A_250 = arith.index_cast %swap3A_249 : i32 to index
      %swap3A_251 = arith.constant 32 : index
      %swap3A_252 = tpu.vector_load %arg7[%swap3A_250, %swap3A_251] {strides = array<i32>} : memref<4x128xf32, #tpu.memory_space<vmem>>, vector<1x16xf32>,
      %swap3A_253 = vector.shape_cast %swap3A_252 : vector<1x16xf32> to vector<16xf32>
      %swap3A_254 = vector.shape_cast %mul3A_248 : vector<16xf32> to vector<1x16xf32>
      tpu.vector_store %arg7[%swap3A_250, %swap3A_251], %swap3A_254 {strides = array<i32>} : memref<4x128xf32, #tpu.memory_space<vmem>>, vector<1x16xf32>,
      %mul3A_255 = arith.constant 3.125000e-02 : f32
      %mul3A_256 = vector.broadcast %mul3A_255 : f32 to vector<16xf32>
      %mul3A_257 = arith.mulf %scan3A_226#3, %mul3A_256 : vector<16xf32>
      %swap3A_258 = arith.constant 2 : i32
      %swap3A_259 = arith.index_cast %swap3A_258 : i32 to index
      %swap3A_260 = arith.constant 48 : index
      %swap3A_261 = tpu.vector_load %arg7[%swap3A_259, %swap3A_260] {strides = array<i32>} : memref<4x128xf32, #tpu.memory_space<vmem>>, vector<1x16xf32>,
      %swap3A_262 = vector.shape_cast %swap3A_261 : vector<1x16xf32> to vector<16xf32>
      %swap3A_263 = vector.shape_cast %mul3A_257 : vector<16xf32> to vector<1x16xf32>
      tpu.vector_store %arg7[%swap3A_259, %swap3A_260], %swap3A_263 {strides = array<i32>} : memref<4x128xf32, #tpu.memory_space<vmem>>, vector<1x16xf32>,
      %mul3A_264 = arith.constant 3.125000e-02 : f32
      %mul3A_265 = vector.broadcast %mul3A_264 : f32 to vector<16xf32>
      %mul3A_266 = arith.mulf %scan3A_226#4, %mul3A_265 : vector<16xf32>
      %swap3A_267 = arith.constant 2 : i32
      %swap3A_268 = arith.index_cast %swap3A_267 : i32 to index
      %swap3A_269 = arith.constant 64 : index
      %swap3A_270 = tpu.vector_load %arg7[%swap3A_268, %swap3A_269] {strides = array<i32>} : memref<4x128xf32, #tpu.memory_space<vmem>>, vector<1x16xf32>,
      %swap3A_271 = vector.shape_cast %swap3A_270 : vector<1x16xf32> to vector<16xf32>
      %swap3A_272 = vector.shape_cast %mul3A_266 : vector<16xf32> to vector<1x16xf32>
      tpu.vector_store %arg7[%swap3A_268, %swap3A_269], %swap3A_272 {strides = array<i32>} : memref<4x128xf32, #tpu.memory_space<vmem>>, vector<1x16xf32>,
      %mul3A_273 = arith.constant 3.125000e-02 : f32
      %mul3A_274 = vector.broadcast %mul3A_273 : f32 to vector<16xf32>
      %mul3A_275 = arith.mulf %scan3A_226#5, %mul3A_274 : vector<16xf32>
      %swap3A_276 = arith.constant 2 : i32
      %swap3A_277 = arith.index_cast %swap3A_276 : i32 to index
      %swap3A_278 = arith.constant 80 : index
      %swap3A_279 = tpu.vector_load %arg7[%swap3A_277, %swap3A_278] {strides = array<i32>} : memref<4x128xf32, #tpu.memory_space<vmem>>, vector<1x16xf32>,
      %swap3A_280 = vector.shape_cast %swap3A_279 : vector<1x16xf32> to vector<16xf32>
      %swap3A_281 = vector.shape_cast %mul3A_275 : vector<16xf32> to vector<1x16xf32>
      tpu.vector_store %arg7[%swap3A_277, %swap3A_278], %swap3A_281 {strides = array<i32>} : memref<4x128xf32, #tpu.memory_space<vmem>>, vector<1x16xf32>,
      %mul3A_282 = arith.constant 3.125000e-02 : f32
      %mul3A_283 = vector.broadcast %mul3A_282 : f32 to vector<16xf32>
      %mul3A_284 = arith.mulf %scan3A_226#6, %mul3A_283 : vector<16xf32>
      %swap3A_285 = arith.constant 2 : i32
      %swap3A_286 = arith.index_cast %swap3A_285 : i32 to index
      %swap3A_287 = arith.constant 96 : index
      %swap3A_288 = tpu.vector_load %arg7[%swap3A_286, %swap3A_287] {strides = array<i32>} : memref<4x128xf32, #tpu.memory_space<vmem>>, vector<1x16xf32>,
      %swap3A_289 = vector.shape_cast %swap3A_288 : vector<1x16xf32> to vector<16xf32>
      %swap3A_290 = vector.shape_cast %mul3A_284 : vector<16xf32> to vector<1x16xf32>
      tpu.vector_store %arg7[%swap3A_286, %swap3A_287], %swap3A_290 {strides = array<i32>} : memref<4x128xf32, #tpu.memory_space<vmem>>, vector<1x16xf32>,
      %mul3A_291 = arith.constant 3.125000e-02 : f32
      %mul3A_292 = vector.broadcast %mul3A_291 : f32 to vector<16xf32>
      %mul3A_293 = arith.mulf %scan3A_226#7, %mul3A_292 : vector<16xf32>
      %swap3A_294 = arith.constant 2 : i32
      %swap3A_295 = arith.index_cast %swap3A_294 : i32 to index
      %swap3A_296 = arith.constant 112 : index
      %swap3A_297 = tpu.vector_load %arg7[%swap3A_295, %swap3A_296] {strides = array<i32>} : memref<4x128xf32, #tpu.memory_space<vmem>>, vector<1x16xf32>,
      %swap3A_298 = vector.shape_cast %swap3A_297 : vector<1x16xf32> to vector<16xf32>
      %swap3A_299 = vector.shape_cast %mul3A_293 : vector<16xf32> to vector<1x16xf32>
      tpu.vector_store %arg7[%swap3A_295, %swap3A_296], %swap3A_299 {strides = array<i32>} : memref<4x128xf32, #tpu.memory_space<vmem>>, vector<1x16xf32>,
      %broadcast_in_dim3A_300 = arith.constant 0.000000e+00 : f32
      %broadcast_in_dim3A_301 = vector.broadcast %broadcast_in_dim3A_300 : f32 to vector<16xf32>
      %broadcast_in_dim3A_302 = arith.constant 0.000000e+00 : f32
      %broadcast_in_dim3A_303 = vector.broadcast %broadcast_in_dim3A_302 : f32 to vector<16xf32>
      %broadcast_in_dim3A_304 = arith.constant 0.000000e+00 : f32
      %broadcast_in_dim3A_305 = vector.broadcast %broadcast_in_dim3A_304 : f32 to vector<16xf32>
      %broadcast_in_dim3A_306 = arith.constant 0.000000e+00 : f32
      %broadcast_in_dim3A_307 = vector.broadcast %broadcast_in_dim3A_306 : f32 to vector<16xf32>
      %broadcast_in_dim3A_308 = arith.constant 0.000000e+00 : f32
      %broadcast_in_dim3A_309 = vector.broadcast %broadcast_in_dim3A_308 : f32 to vector<16xf32>
      %broadcast_in_dim3A_310 = arith.constant 0.000000e+00 : f32
      %broadcast_in_dim3A_311 = vector.broadcast %broadcast_in_dim3A_310 : f32 to vector<16xf32>
      %broadcast_in_dim3A_312 = arith.constant 0.000000e+00 : f32
      %broadcast_in_dim3A_313 = vector.broadcast %broadcast_in_dim3A_312 : f32 to vector<16xf32>
      %broadcast_in_dim3A_314 = arith.constant 0.000000e+00 : f32
      %broadcast_in_dim3A_315 = vector.broadcast %broadcast_in_dim3A_314 : f32 to vector<16xf32>
      %scan3A_316 = arith.constant 0 : i32
      %scan3A_317 = arith.constant 32 : i32
      %scan3A_318 = arith.addi %scan3A_316, %scan3A_317 : i32
      %scan3A_319 = arith.constant 1 : i32
      %scan3A_320:8 = scf.for %scan3A_395 = %scan3A_316 to %scan3A_318 step %scan3A_319 iter_args(%scan3A_396 = %broadcast_in_dim3A_301, %scan3A_397 = %broadcast_in_dim3A_303, %scan3A_398 = %broadcast_in_dim3A_305, %scan3A_399 = %broadcast_in_dim3A_307, %scan3A_400 = %broadcast_in_dim3A_309, %scan3A_401 = %broadcast_in_dim3A_311, %scan3A_402 = %broadcast_in_dim3A_313, %scan3A_403 = %broadcast_in_dim3A_315) -> (vector<16xf32>, vector<16xf32>, vector<16xf32>, vector<16xf32>, vector<16xf32>, vector<16xf32>, vector<16xf32>, vector<16xf32>)  : i32 {
        %add3A_404 = arith.constant 96 : i32
        %add3A_405 = arith.addi %add3A_404, %scan3A_395 : i32
        %get3A = arith.index_cast %add3A_405 : i32 to index
        %get3A_406 = arith.constant 0 : index
        %get3A_407 = tpu.vector_load %arg6[%get3A, %get3A_406] {strides = array<i32>} : memref<128x128xf32, #tpu.memory_space<vmem>>, vector<1x16xf32>,
        %get3A_408 = vector.shape_cast %get3A_407 : vector<1x16xf32> to vector<16xf32>
        %add3A_409 = arith.addf %scan3A_396, %get3A_408 : vector<16xf32>
        %get3A_410 = arith.index_cast %add3A_405 : i32 to index
        %get3A_411 = arith.constant 16 : index
        %get3A_412 = tpu.vector_load %arg6[%get3A_410, %get3A_411] {strides = array<i32>} : memref<128x128xf32, #tpu.memory_space<vmem>>, vector<1x16xf32>,
        %get3A_413 = vector.shape_cast %get3A_412 : vector<1x16xf32> to vector<16xf32>
        %add3A_414 = arith.addf %scan3A_397, %get3A_413 : vector<16xf32>
        %get3A_415 = arith.index_cast %add3A_405 : i32 to index
        %get3A_416 = arith.constant 32 : index
        %get3A_417 = tpu.vector_load %arg6[%get3A_415, %get3A_416] {strides = array<i32>} : memref<128x128xf32, #tpu.memory_space<vmem>>, vector<1x16xf32>,
        %get3A_418 = vector.shape_cast %get3A_417 : vector<1x16xf32> to vector<16xf32>
        %add3A_419 = arith.addf %scan3A_398, %get3A_418 : vector<16xf32>
        %get3A_420 = arith.index_cast %add3A_405 : i32 to index
        %get3A_421 = arith.constant 48 : index
        %get3A_422 = tpu.vector_load %arg6[%get3A_420, %get3A_421] {strides = array<i32>} : memref<128x128xf32, #tpu.memory_space<vmem>>, vector<1x16xf32>,
        %get3A_423 = vector.shape_cast %get3A_422 : vector<1x16xf32> to vector<16xf32>
        %add3A_424 = arith.addf %scan3A_399, %get3A_423 : vector<16xf32>
        %get3A_425 = arith.index_cast %add3A_405 : i32 to index
        %get3A_426 = arith.constant 64 : index
        %get3A_427 = tpu.vector_load %arg6[%get3A_425, %get3A_426] {strides = array<i32>} : memref<128x128xf32, #tpu.memory_space<vmem>>, vector<1x16xf32>,
        %get3A_428 = vector.shape_cast %get3A_427 : vector<1x16xf32> to vector<16xf32>
        %add3A_429 = arith.addf %scan3A_400, %get3A_428 : vector<16xf32>
        %get3A_430 = arith.index_cast %add3A_405 : i32 to index
        %get3A_431 = arith.constant 80 : index
        %get3A_432 = tpu.vector_load %arg6[%get3A_430, %get3A_431] {strides = array<i32>} : memref<128x128xf32, #tpu.memory_space<vmem>>, vector<1x16xf32>,
        %get3A_433 = vector.shape_cast %get3A_432 : vector<1x16xf32> to vector<16xf32>
        %add3A_434 = arith.addf %scan3A_401, %get3A_433 : vector<16xf32>
        %get3A_435 = arith.index_cast %add3A_405 : i32 to index
        %get3A_436 = arith.constant 96 : index
        %get3A_437 = tpu.vector_load %arg6[%get3A_435, %get3A_436] {strides = array<i32>} : memref<128x128xf32, #tpu.memory_space<vmem>>, vector<1x16xf32>,
        %get3A_438 = vector.shape_cast %get3A_437 : vector<1x16xf32> to vector<16xf32>
        %add3A_439 = arith.addf %scan3A_402, %get3A_438 : vector<16xf32>
        %get3A_440 = arith.index_cast %add3A_405 : i32 to index
        %get3A_441 = arith.constant 112 : index
        %get3A_442 = tpu.vector_load %arg6[%get3A_440, %get3A_441] {strides = array<i32>} : memref<128x128xf32, #tpu.memory_space<vmem>>, vector<1x16xf32>,
        %get3A_443 = vector.shape_cast %get3A_442 : vector<1x16xf32> to vector<16xf32>
        %add3A_444 = arith.addf %scan3A_403, %get3A_443 : vector<16xf32>
        scf.yield %add3A_409, %add3A_414, %add3A_419, %add3A_424, %add3A_429, %add3A_434, %add3A_439, %add3A_444 : vector<16xf32>, vector<16xf32>, vector<16xf32>, vector<16xf32>, vector<16xf32>, vector<16xf32>, vector<16xf32>, vector<16xf32>
      }
      %scan3A_321 = arith.constant 32 : i32
      %mul3A_322 = arith.constant 3.125000e-02 : f32
      %mul3A_323 = vector.broadcast %mul3A_322 : f32 to vector<16xf32>
      %mul3A_324 = arith.mulf %scan3A_320#0, %mul3A_323 : vector<16xf32>
      %swap3A_325 = arith.constant 3 : i32
      %swap3A_326 = arith.index_cast %swap3A_325 : i32 to index
      %swap3A_327 = arith.constant 0 : index
      %swap3A_328 = tpu.vector_load %arg7[%swap3A_326, %swap3A_327] {strides = array<i32>} : memref<4x128xf32, #tpu.memory_space<vmem>>, vector<1x16xf32>,
      %swap3A_329 = vector.shape_cast %swap3A_328 : vector<1x16xf32> to vector<16xf32>
      %swap3A_330 = vector.shape_cast %mul3A_324 : vector<16xf32> to vector<1x16xf32>
      tpu.vector_store %arg7[%swap3A_326, %swap3A_327], %swap3A_330 {strides = array<i32>} : memref<4x128xf32, #tpu.memory_space<vmem>>, vector<1x16xf32>,
      %mul3A_331 = arith.constant 3.125000e-02 : f32
      %mul3A_332 = vector.broadcast %mul3A_331 : f32 to vector<16xf32>
      %mul3A_333 = arith.mulf %scan3A_320#1, %mul3A_332 : vector<16xf32>
      %swap3A_334 = arith.constant 3 : i32
      %swap3A_335 = arith.index_cast %swap3A_334 : i32 to index
      %swap3A_336 = arith.constant 16 : index
      %swap3A_337 = tpu.vector_load %arg7[%swap3A_335, %swap3A_336] {strides = array<i32>} : memref<4x128xf32, #tpu.memory_space<vmem>>, vector<1x16xf32>,
      %swap3A_338 = vector.shape_cast %swap3A_337 : vector<1x16xf32> to vector<16xf32>
      %swap3A_339 = vector.shape_cast %mul3A_333 : vector<16xf32> to vector<1x16xf32>
      tpu.vector_store %arg7[%swap3A_335, %swap3A_336], %swap3A_339 {strides = array<i32>} : memref<4x128xf32, #tpu.memory_space<vmem>>, vector<1x16xf32>,
      %mul3A_340 = arith.constant 3.125000e-02 : f32
      %mul3A_341 = vector.broadcast %mul3A_340 : f32 to vector<16xf32>
      %mul3A_342 = arith.mulf %scan3A_320#2, %mul3A_341 : vector<16xf32>
      %swap3A_343 = arith.constant 3 : i32
      %swap3A_344 = arith.index_cast %swap3A_343 : i32 to index
      %swap3A_345 = arith.constant 32 : index
      %swap3A_346 = tpu.vector_load %arg7[%swap3A_344, %swap3A_345] {strides = array<i32>} : memref<4x128xf32, #tpu.memory_space<vmem>>, vector<1x16xf32>,
      %swap3A_347 = vector.shape_cast %swap3A_346 : vector<1x16xf32> to vector<16xf32>
      %swap3A_348 = vector.shape_cast %mul3A_342 : vector<16xf32> to vector<1x16xf32>
      tpu.vector_store %arg7[%swap3A_344, %swap3A_345], %swap3A_348 {strides = array<i32>} : memref<4x128xf32, #tpu.memory_space<vmem>>, vector<1x16xf32>,
      %mul3A_349 = arith.constant 3.125000e-02 : f32
      %mul3A_350 = vector.broadcast %mul3A_349 : f32 to vector<16xf32>
      %mul3A_351 = arith.mulf %scan3A_320#3, %mul3A_350 : vector<16xf32>
      %swap3A_352 = arith.constant 3 : i32
      %swap3A_353 = arith.index_cast %swap3A_352 : i32 to index
      %swap3A_354 = arith.constant 48 : index
      %swap3A_355 = tpu.vector_load %arg7[%swap3A_353, %swap3A_354] {strides = array<i32>} : memref<4x128xf32, #tpu.memory_space<vmem>>, vector<1x16xf32>,
      %swap3A_356 = vector.shape_cast %swap3A_355 : vector<1x16xf32> to vector<16xf32>
      %swap3A_357 = vector.shape_cast %mul3A_351 : vector<16xf32> to vector<1x16xf32>
      tpu.vector_store %arg7[%swap3A_353, %swap3A_354], %swap3A_357 {strides = array<i32>} : memref<4x128xf32, #tpu.memory_space<vmem>>, vector<1x16xf32>,
      %mul3A_358 = arith.constant 3.125000e-02 : f32
      %mul3A_359 = vector.broadcast %mul3A_358 : f32 to vector<16xf32>
      %mul3A_360 = arith.mulf %scan3A_320#4, %mul3A_359 : vector<16xf32>
      %swap3A_361 = arith.constant 3 : i32
      %swap3A_362 = arith.index_cast %swap3A_361 : i32 to index
      %swap3A_363 = arith.constant 64 : index
      %swap3A_364 = tpu.vector_load %arg7[%swap3A_362, %swap3A_363] {strides = array<i32>} : memref<4x128xf32, #tpu.memory_space<vmem>>, vector<1x16xf32>,
      %swap3A_365 = vector.shape_cast %swap3A_364 : vector<1x16xf32> to vector<16xf32>
      %swap3A_366 = vector.shape_cast %mul3A_360 : vector<16xf32> to vector<1x16xf32>
      tpu.vector_store %arg7[%swap3A_362, %swap3A_363], %swap3A_366 {strides = array<i32>} : memref<4x128xf32, #tpu.memory_space<vmem>>, vector<1x16xf32>,
      %mul3A_367 = arith.constant 3.125000e-02 : f32
      %mul3A_368 = vector.broadcast %mul3A_367 : f32 to vector<16xf32>
      %mul3A_369 = arith.mulf %scan3A_320#5, %mul3A_368 : vector<16xf32>
      %swap3A_370 = arith.constant 3 : i32
      %swap3A_371 = arith.index_cast %swap3A_370 : i32 to index
      %swap3A_372 = arith.constant 80 : index
      %swap3A_373 = tpu.vector_load %arg7[%swap3A_371, %swap3A_372] {strides = array<i32>} : memref<4x128xf32, #tpu.memory_space<vmem>>, vector<1x16xf32>,
      %swap3A_374 = vector.shape_cast %swap3A_373 : vector<1x16xf32> to vector<16xf32>
      %swap3A_375 = vector.shape_cast %mul3A_369 : vector<16xf32> to vector<1x16xf32>
      tpu.vector_store %arg7[%swap3A_371, %swap3A_372], %swap3A_375 {strides = array<i32>} : memref<4x128xf32, #tpu.memory_space<vmem>>, vector<1x16xf32>,
      %mul3A_376 = arith.constant 3.125000e-02 : f32
      %mul3A_377 = vector.broadcast %mul3A_376 : f32 to vector<16xf32>
      %mul3A_378 = arith.mulf %scan3A_320#6, %mul3A_377 : vector<16xf32>
      %swap3A_379 = arith.constant 3 : i32
      %swap3A_380 = arith.index_cast %swap3A_379 : i32 to index
      %swap3A_381 = arith.constant 96 : index
      %swap3A_382 = tpu.vector_load %arg7[%swap3A_380, %swap3A_381] {strides = array<i32>} : memref<4x128xf32, #tpu.memory_space<vmem>>, vector<1x16xf32>,
      %swap3A_383 = vector.shape_cast %swap3A_382 : vector<1x16xf32> to vector<16xf32>
      %swap3A_384 = vector.shape_cast %mul3A_378 : vector<16xf32> to vector<1x16xf32>
      tpu.vector_store %arg7[%swap3A_380, %swap3A_381], %swap3A_384 {strides = array<i32>} : memref<4x128xf32, #tpu.memory_space<vmem>>, vector<1x16xf32>,
      %mul3A_385 = arith.constant 3.125000e-02 : f32
      %mul3A_386 = vector.broadcast %mul3A_385 : f32 to vector<16xf32>
      %mul3A_387 = arith.mulf %scan3A_320#7, %mul3A_386 : vector<16xf32>
      %swap3A_388 = arith.constant 3 : i32
      %swap3A_389 = arith.index_cast %swap3A_388 : i32 to index
      %swap3A_390 = arith.constant 112 : index
      %swap3A_391 = tpu.vector_load %arg7[%swap3A_389, %swap3A_390] {strides = array<i32>} : memref<4x128xf32, #tpu.memory_space<vmem>>, vector<1x16xf32>,
      %swap3A_392 = vector.shape_cast %swap3A_391 : vector<1x16xf32> to vector<16xf32>
      %swap3A_393 = vector.shape_cast %mul3A_387 : vector<16xf32> to vector<1x16xf32>
      tpu.vector_store %arg7[%swap3A_389, %swap3A_390], %swap3A_393 {strides = array<i32>} : memref<4x128xf32, #tpu.memory_space<vmem>>, vector<1x16xf32>,
      "tpu.region"() ({
        %run_scoped3A = tpu.sem_alloc : memref<!tpu.dma_semaphore, #tpu.memory_space<semaphore_mem>>
        %dma_start3A_395 = arith.constant 0 : i32
        %dma_start3A_396 = tpu.memref_slice %arg4[%add3A_13, %dma_start3A_395] : memref<16384x128xf32, #tpu.memory_space<hbm>> -> memref<4x128xf32, #tpu.memory_space<hbm>>
        %dma_start3A_397 = arith.constant 0 : i32
        %dma_start3A_398 = tpu.memref_slice %arg4[%add3A_13, %dma_start3A_397] : memref<16384x128xf32, #tpu.memory_space<hbm>> -> memref<4x128xf32, #tpu.memory_space<hbm>>
        tpu.enqueue_dma source(%arg7 : memref<4x128xf32, #tpu.memory_space<vmem>>) target(%dma_start3A_398 : memref<4x128xf32, #tpu.memory_space<hbm>>) target_semaphore(%run_scoped3A : memref<!tpu.dma_semaphore, #tpu.memory_space<semaphore_mem>>)
        %dma_wait3A_399 = arith.constant 0 : i32
        %dma_wait3A_400 = tpu.memref_slice %arg4[%add3A_13, %dma_wait3A_399] : memref<16384x128xf32, #tpu.memory_space<hbm>> -> memref<4x128xf32, #tpu.memory_space<hbm>>
        %dma_wait3A_401 = arith.constant 0 : i32
        %dma_wait3A_402 = tpu.memref_slice %arg4[%add3A_13, %dma_wait3A_401] : memref<16384x128xf32, #tpu.memory_space<hbm>> -> memref<4x128xf32, #tpu.memory_space<hbm>>
        tpu.wait_dma2 semaphore(%run_scoped3A : memref<!tpu.dma_semaphore, #tpu.memory_space<semaphore_mem>>) src(%arg7 : memref<4x128xf32, #tpu.memory_space<vmem>>) dst(%dma_wait3A_402 : memref<4x128xf32, #tpu.memory_space<hbm>>)
        tpu.yield
      }) : () -> ()
      %scan3A_394 = arith.constant 0 : i32
      scf.yield %scan3A_394 : i32
    }
    %scan3A_8 = arith.constant 128 : i32
    return
  }
}

</mosaic_0001>

<sc_bundles>
// kernel: kernel.3.cloned.1.call-start
scs
__scs_entry_jumppad:
0x0: {  	(pc) =	sbr.rel $0x88, $3  }
0x1: {  	(tag) =	ssettag $0x0;
	lr =	simm.s32 $0x1  }
0x2: {  	[smem:$0x3F9F] =	sst lr;
	_ =	strace $0xD0000000  }
0x3: {  	_ = 	snop  }
0x4: {  	_ = 	snop  }
0x5: {  	_ = 	snop  }
0x6: {  	_ = 	snop  }
0x7: {  	_ = 	snop  }
__scs_overlays_trampoline_lowered:
0x8: {  	[smem:$0x3FAE] =	sst s0  }
0x9: {  	[smem:$0x3FAF] =	sst s1  }
0xa: {  	[smem:$0x3FB0] =	sst s2  }
0xb: {  	[smem:$0x3FB1] =	sst s3  }
0xc: {  	[smem:$0x3FB2] =	sst s4  }
0xd: {  	[smem:$0x3FB3] =	sst s5  }
0xe: {  	[smem:$0x3FB4] =	sst s6  }
0xf: {  	[smem:$0x3FB5] =	sst s7  }
0x10: {  	[smem:$0x3FB6] =	sst s8  }
0x11: {  	[smem:$0x3FB7] =	sst s9;
	s0 =	simm.s32 @!p0 $0x0  }
0x12: {  	s1 =	sld [smem:$0x3F9D];
	s0 =	simm.s32 @p0 $0x1  }
0x13: {  	[smem:$0x3FB8] =	sst s0;
	s0 =	simm.s32 @!p1 $0x0  }
0x14: {  	s2 =	sld [smem:$0x3F9C];
	s0 =	simm.s32 @p1 $0x1  }
0x15: {  	[smem:$0x3FB9] =	sst s0;
	s0 =	simm.s32 @!p2 $0x0  }
0x16: {  	s3 =	sld [smem:$0x3FDB];
	s0 =	simm.s32 @p2 $0x1  }
0x17: {  	s4 =	simm.s32 $0x1BF5;
	[smem:$0x3FBB] =	sst s0  }
0x18: {  	s0 =	sld [smem:$0x3F9E];
	_ =	swait.ge [sflag:s4], $0x0  }
0x19: {  	s7 =	sld [smem:$0x3F9F]  }
0x1a: {  	s8 =	sadd.s32 $0xFFFFE003, lr  }
0x1b: {  	s9 =	sadd.s32 $0xFFFFFEF7, lr;
	s5 =	simm.s32 $0xFFFFFFFF;
	p2 =	slt.u32 s8, $0xFFFFF086  }
0x1c: {  	p1 =	slt.u32 s9, $0xF7A;
	s5 =	simm.s32 @!p2 $0x0  }
0x1d: {  	s5 =	simm.s32 @p1 $0x1;
	p0 =	seq.s32 s7, s2  }
0x1e: {  	s7 =	smul.u32 @!p0 $0xF7A, s2;
	p2 =	seq.s32 @!p0 s5, $0x0  }
0x1f: {  	s9 =	smul.u32 $0xF7A, s1;
	s8 =	simm.s32 @!p0 $0x1BF5;
	p2 =	por !p2, p0  }
0x20: {  	[sflag:s8] =	ssyncset.s32 @!p0 $0xFFFFF086;
	s6 =	sadd.s32 @!p0 s3, s7;
	s7 =	simm.s32 @!p0 $0x108  }
0x21: {  	s3 =	sadd.s32 s3, s9;
	s6 =	sadd.s32 @!p0 $0x88, s6;
	s7 =	simm.s32 @p2 $0x1082  }
0x22: {  	[simem:s7], [sflag:s8] =	dma.local @!p0 [hbm:s6], $0xF7A  }
0x23: {  	s9 =	sor.u32 $0xD0000000, s2;
	s6 =	simm.s32 $0x108;
	_ =	swait.ge @!p0 [sflag:s8], $0x0  }
0x24: {  	s3 =	sadd.s32 $0x88, s3;
	s6 =	simm.s32 @!p1 $0x1082;
	[sflag:s4] =	ssyncset.s32 $0xFFFFF086  }
0x25: {  	[simem:s6], [sflag:s4] =	dma.local [hbm:s3], $0xF7A  }
0x26: {  	[smem:$0x3F9F] =	sst s1;
	(tag) =	ssettag s2;
	_ =	strace s9  }
0x27: {  	s1 =	sld [smem:$0x3FAF]  }
0x28: {  	s2 =	sld [smem:$0x3FB0]  }
0x29: {  	s4 =	sld [smem:$0x3FB2]  }
0x2a: {  	p0 =	seq.s32 s5, $0x0;
	s5 =	sld [smem:$0x3FB3]  }
0x2b: {  	s6 =	sld [smem:$0x3FB4]  }
0x2c: {  	s7 =	sld [smem:$0x3FB5]  }
0x2d: {  	s3 =	simm.s32 $0x108;
	s8 =	sld [smem:$0x3FB6]  }
0x2e: {  	s3 =	simm.s32 @!p0 $0x1082;
	s9 =	sld [smem:$0x3FB7]  }
0x2f: {  	lr =	sadd.s32 s0, s3;
	s0 =	sld [smem:$0x3FAE]  }
0x30: {  	s3 =	sld [smem:$0x3FB1]  }
0x31: {  	[smem:$0x3FBA] =	sst s10  }
0x32: {  	s10 =	sld [smem:$0x3FB8];
	_ =	sdelay $0x3  }
0x33: {  	p0 =	seq.s32 s10, $0x1;
	s10 =	sld [smem:$0x3FBA];
	_ =	sdelay $0x3  }
0x34: {  	[smem:$0x3FBA] =	sst s10  }
0x35: {  	s10 =	sld [smem:$0x3FB9];
	_ =	sdelay $0x3  }
0x36: {  	p1 =	seq.s32 s10, $0x1;
	s10 =	sld [smem:$0x3FBA];
	_ =	sdelay $0x3  }
0x37: {  	[smem:$0x3FBA] =	sst s10  }
0x38: {  	s10 =	sld [smem:$0x3FBB]  }
0x39: {  	_ = 	snop;
	(pc) =	sbr.ind lr, $3  }
0x3a: {  	_ = 	snop  }
0x3b: {  	_ = 	snop  }
0x3c: {  	p2 =	seq.s32 s10, $0x1;
	s10 =	sld [smem:$0x3FBA]  }
0x3d: {  	_ =	shalt  }
0x3e: {  	_ =	shalt  }
0x3f: {  	_ =	shalt  }
0x40: {  	_ =	shalt  }
0x41: {  	_ =	shalt  }
0x42: {  	_ =	shalt  }
0x43: {  	_ =	shalt  }
0x44: {  	_ =	shalt  }
0x45: {  	_ =	shalt  }
0x46: {  	_ =	shalt  }
0x47: {  	_ =	shalt  }
0x48: {  	_ =	shalt  }
0x49: {  	_ =	shalt  }
0x4a: {  	_ =	shalt  }
0x4b: {  	_ =	shalt  }
0x4c: {  	_ =	shalt  }
0x4d: {  	_ =	shalt  }
0x4e: {  	_ =	shalt  }
0x4f: {  	_ =	shalt  }
0x50: {  	_ =	shalt  }
0x51: {  	_ =	shalt  }
0x52: {  	_ =	shalt  }
0x53: {  	_ =	shalt  }
0x54: {  	_ =	shalt  }
0x55: {  	_ =	shalt  }
0x56: {  	_ =	shalt  }
0x57: {  	_ =	shalt  }
0x58: {  	_ =	shalt  }
0x59: {  	_ =	shalt  }
0x5a: {  	_ =	shalt  }
0x5b: {  	_ =	shalt  }
0x5c: {  	_ =	shalt  }
0x5d: {  	_ =	shalt  }
0x5e: {  	_ =	shalt  }
0x5f: {  	_ =	shalt  }
0x60: {  	_ =	shalt  }
0x61: {  	_ =	shalt  }
0x62: {  	_ =	shalt  }
0x63: {  	_ =	shalt  }
0x64: {  	_ =	shalt  }
0x65: {  	_ =	shalt  }
0x66: {  	_ =	shalt  }
0x67: {  	_ =	shalt  }
0x68: {  	_ =	shalt  }
0x69: {  	_ =	shalt  }
0x6a: {  	_ =	shalt  }
0x6b: {  	_ =	shalt  }
0x6c: {  	_ =	shalt  }
0x6d: {  	_ =	shalt  }
0x6e: {  	_ =	shalt  }
0x6f: {  	_ =	shalt  }
0x70: {  	_ =	shalt  }
0x71: {  	_ =	shalt  }
0x72: {  	_ =	shalt  }
0x73: {  	_ =	shalt  }
0x74: {  	_ =	shalt  }
0x75: {  	_ =	shalt  }
0x76: {  	_ =	shalt  }
0x77: {  	_ =	shalt  }
0x78: {  	_ =	shalt  }
0x79: {  	_ =	shalt  }
0x7a: {  	_ =	shalt  }
0x7b: {  	_ =	shalt  }
0x7c: {  	_ =	shalt  }
0x7d: {  	_ =	shalt  }
0x7e: {  	_ =	shalt  }
0x7f: {  	_ =	shalt  }
0x80: {  	_ =	shalt  }
0x81: {  	_ =	shalt  }
0x82: {  	_ =	shalt  }
0x83: {  	_ =	shalt  }
0x84: {  	_ =	shalt  }
0x85: {  	_ =	shalt  }
0x86: {  	_ =	shalt  }
0x87: {  	_ =	shalt  }
.Lfunc_end0:
.L_simem_size_0:
called_computation_lowered:
.L_overlay_start_0:
0x88: {  	s2 =	sld [smem:$0x3FD9]  }
0x89: {  	s3 =	sld [smem:$0x3FFE];
	_ =	sdelay $0x1  }
0x8a: {  	s1 =	srdreg.scid  }
0x8b: {  	s0 =	sand.u32 $0x1, s1  }
0x8c: {  	s17 =	sshll.u32 s0, $0xA;
	s2 =	sadd.s32 s3, s2  }
0x8d: {  	s2 =	sadd.s32 s2, s17  }
0x8e: {  	[smem:$0x3FC6] =	sst s2  }
0x8f: {  	_ = 	snop  }
0x90: {  	s2 =	sld [smem:$0x3FC8]  }
0x91: {  	s18 =	sld [smem:$0x3FD0];
	(tm) =	ssettm $0x1  }
0x92: {  	s4 =	sld [smem:$0x3FFB];
	_ =	sdelay $0x3  }
0x93: {  	_ =	strace s4  }
0x94: {  	s4 =	sld [smem:$0x3FFC];
	_ =	sdelay $0x3  }
0x95: {  	_ =	strace s4  }
0x96: {  	s4 =	sld [smem:$0x3FFD];
	_ =	sdelay $0x3  }
0x97: {  	_ =	strace s4  }
0x98: {  	_ =	strace $0x8FFFFFFF  }
0x99: {  	s19 =	sld [smem:$0x3FDB];
	_ =	sdelay $0x1  }
0x9a: {  	s5 =	simm.s32 $_scs_section_size  }
0x9b: {  	s6 =	simm.s32 $_size__tile_overlayer_lowered;
	s7 =	simm.s32 $_tile_overlayer_lowered  }
0x9c: {  	s22 =	simm.s32 $0x1BFF;
	s21 =	sshll.u32 s7, $0x1;
	s4 =	sadd.s32 s5, s19  }
0x9d: {  	s8 =	simm.s32 $0x0;
	s20 =	sshll.u32 s6, $0x1;
	s6 =	sadd.s32 s21, s4  }
0x9e: {  	[timem:s8], [sflag:s22] =	dma.local [hbm:s6], s20  }
0x9f: {  	_ =	swait.ge [sflag:s22], s20  }
0xa0: {  	s5 =	ssub.s32 $0x0, s20;
	[sflag:s22] =	ssyncset.done $0x0  }
0xa1: {  	[sflag:s22] =	ssyncadd.s32 s5;
	_ =	sdelay $0x1  }
0xa2: {  	s23 =	simm.s32 $0x1B8B  }
0xa3: {  	_ =	swait.ge [sflag:s23], $0x1  }
0xa4: {  	[sflag:s23] =	ssyncset.done $0x0  }
0xa5: {  	s25 =	simm.s32 $0x1B8E;
	s24 =	sld [smem:$0x3FFE];
	[sflag:s23] =	ssyncadd.s32 $0xFFFFFFFF  }
0xa6: {  	s26 =	simm.s32 $execute0_lowered;
	[smem:$0x3FD2] =	sst s25  }
0xa7: {  	s6 =	sshll.u32 s26, $0x1;
	_ =	strace $0x80000046;
	[dreg:$0x1] =	wrdreg $0xFFFFFFFF  }
0xa8: {  	s28 =	simm.s32 $_size_execute0_lowered;
	s4 =	sadd.s32 s4, s6;
	[dreg:$0x0] =	wrdreg $0x0  }
0xa9: {  	s6 =	sshll.u32 s28, $0x1;
	[dreg:$0x2] =	wrdreg s4  }
0xaa: {  	[dreg:$0x3] =	wrdreg s6  }
0xab: {  	[dreg:$0x4] =	wrdreg $0xC0  }
0xac: {  	_ =	task [dreg:s8], $0x5FFFF  }
0xad: {  	[dreg:$0x1] =	wrdreg $0xFFFFFFFF  }
0xae: {  	[dreg:$0x0] =	wrdreg $0x60  }
0xaf: {  	[dreg:$0x2] =	wrdreg s24  }
0xb0: {  	[dreg:$0x3] =	wrdreg s2  }
0xb1: {  	[dreg:$0x4] =	wrdreg s18  }
0xb2: {  	[dreg:$0x5] =	wrdreg $0x9  }
0xb3: {  	_ =	task.clear_ibuf [dreg:s8], $0x6FFFF;
	_ =	strace $0x90000046  }
0xb4: {  	s29 =	simm.s32 $0x9;
	_ =	strace $0x80000048  }
0xb5: {  	_ =	swait.ge [sflag:s29], $0x1  }
0xb6: {  	[sflag:s29] =	ssyncadd.s32 $0xFFFFFFFF  }
0xb7: {  	_ =	strace $0x90000048  }
0xb8: {  	_ =	sfence  }
0xb9: {  	s30 =	sld [smem:$0x0];
	_ =	sdelay $0x2  }
0xba: {  	s31 =	sshll.u32 s1, $0xD;
	s1 =	sshrl.u32 s1, $0x2  }
0xbb: {  	s3 =	sand.u32 $0x4000, s31;
	s1 =	sadd.s32 s1, s30  }
0xbc: {  	s0 =	sor.u32 s3, s0;
	s1 =	sshll.u32 s1, $0x11  }
0xbd: {  	s0 =	sor.u32 s1, s0  }
0xbe: {  	s0 =	sadd.s32 $0x8F2B, s0  }
0xbf: {  	[sflag:s0] =	ssyncadd.remote.s32 $0x1  }
0xc0: {  	_ =	sfence.sel $0xFFFF  }
0xc1: {  	[dreg:$0x0] =	wrdreg $0xFFFFFFFF;
	(pc) =	sbr.abs _section_cstart, $3  }
0xc2: {  	[dreg:$0x1] =	wrdreg $0xFFFFFFFF  }
0xc3: {  	_ =	task.clear_ibuf [dreg:s8], $0x2FFFF;
	_ =	strace $0x9FFFFFFF  }
0xc4: {  	(tm) =	ssettm $0x7FFFFFFF  }
0xc5: {  	_ =	shalt  }
tec
execute0_lowered:
.L_overlay_start_1:
0x0: {  	(tag) =	ssettag $0x1  }
0x1: {  	s5 =	rddreg [dreg:$0x0]  }
0x2: {  	s1 =	rddreg [dreg:$0x1]  }
0x3: {  	s2 =	rddreg [dreg:$0x2]  }
0x4: {  	s0 =	rddreg [dreg:$0x3];
	s3 =	simm.s32 $0x0  }
0x5: {  	s4 =	srdreg.scid;
	s10 =	simm.s32 $0x1;
	s11 =	simm.s32 $0x4080  }
0x6: {  	s12 =	simm.s32 $0x0;
	[smem:$0x7FF] =	sst s3;
	s6 =	sand.u32 $0x1, s4  }
0x7: {  	s4 =	stileid.u32;
	s5 =	sadd.s32 $0x400, s5;
	s7 =	ssub.s32 $0x2, s6  }
0x8: {  	s9 =	sshll.u32 s4, $0xA;
	s6 =	sshll.u32 s6, $0x9;
	s8 =	sshrl.u32 s7, $0x1  }
0x9: {  	_ =	strace $0x80000047;
	s6 =	sor.u32 s6, s9;
	s7 =	ssub.s32 s7, s8  }
0xa: {  	s9 =	simm.s32 $0x80;
	s8 =	simm.s32 $0x2;
	s7 =	smax.u32 s7, $0x1  }
.LBB2_1:
0xb: {  	s13 =	simm.s32 $0x0  }
.LBB2_2:
0xc: {  	s14 =	sshll.u32 s13, $0x2  }
0xd: {  	s14 =	sadd.s32 s6, s14  }
0xe: {  	s15 =	sshll.u32 s14, $0x2  }
0xf: {  	s16 =	simm.s32 $0x0;
	s15 =	sadd.s32 s5, s15  }
0x10: {  	[tilespmem:s16], [sflag:$0x2] =	stream.linear.gather [hbm4b:s15+s16], $0x80, $0x38;
	[tilespmem:$0x4280] =	vst v63  }
0x11: {  	_ =	swait.ge [sflag:s8], $0x80  }
0x12: {  	[sflag:s8] =	ssyncset.done $0x0  }
0x13: {  	[sflag:s8] =	ssyncadd.s32 $0xFFFFFF80  }
0x14: {  	[tilespmem:s9], [sflag:$0x1] =	stream.indirect.gather [hbm4b:s1+s9], $0x80, s16, s9, $0xb8;
	[tilespmem:$0x4280] =	vst v63  }
0x15: {  	_ =	swait.ge [sflag:s10], $0x4000  }
0x16: {  	[sflag:s10] =	ssyncset.done $0x0  }
0x17: {  	s17 =	simm.s32 $0x0;
	[sflag:s10] =	ssyncadd.s32 $0xFFFFC000  }
0x18: {  	v0 =	vld [tilespmem:s17+$0xF0]  }
0x19: {  	v2 =	vld [tilespmem:s17+$0x80]  }
0x1a: {  	v3 =	vld [tilespmem:s17+$0x90]  }
0x1b: {  	v12 =	vld [tilespmem:s17+$0xA0]  }
0x1c: {  	v10 =	vld [tilespmem:s17+$0xB0]  }
0x1d: {  	v1 =	vimm.f32 $0.0e+00;
	v6 =	vimm.f32 $0.0e+00;
	v7 =	vld [tilespmem:s17+$0xC0]  }
0x1e: {  	v9 =	vimm.f32 $0.0e+00;
	v8 =	vld [tilespmem:s17+$0xD0];
	v0 =	vadd.f32 v0, v1;
	v5 =	vadd.f32 v2, v1  }
0x1f: {  	s15 =	simm.s32 $0x80;
	s16 =	simm.s32 $0x400;
	v11 =	vld [tilespmem:s17+$0xE0];
	v4 =	vadd.f32 v3, v1;
	v3 =	vimm.f32 $0.0e+00;
	v2 =	vimm.f32 $0.0e+00  }
.LBB2_3:
0x20: {  	p0 =	sne.s32 s16, $0x3E00;
	v13 =	vld [tilespmem:s15+$0xF0];
	v1 =	vadd.f32 v12, v1  }
0x21: {  	v14 =	vld [tilespmem:s15+$0x80];
	v6 =	vadd.f32 v10, v6  }
0x22: {  	v15 =	vld [tilespmem:s15+$0x90];
	v9 =	vadd.f32 v7, v9  }
.Ltmp0:
0x23: {  	v12 =	vld [tilespmem:s15+$0xA0];
	v3 =	vadd.f32 v8, v3;
	(pc) =	sbr.rel @p0 .LBB2_3-.Ltmp0, $4  }
0x24: {  	v10 =	vld [tilespmem:s15+$0xB0];
	v2 =	vadd.f32 v11, v2  }
0x25: {  	v7 =	vld [tilespmem:s15+$0xC0];
	v0 =	vadd.f32 v13, v0  }
0x26: {  	v5 =	vadd.f32 v14, v5;
	v8 =	vld [tilespmem:s15+$0xD0]  }
0x27: {  	v4 =	vadd.f32 v15, v4;
	v11 =	vld [tilespmem:s15+$0xE0];
	s15 =	sshra.s32 s16, $0x2;
	s16 =	sadd.s32 $0x200, s16  }
0x28: {  	v13 =	vld [tilespmem:s15+$0x80]  }
0x29: {  	v14 =	vld [tilespmem:s15+$0x90]  }
0x2a: {  	v15 =	vld [tilespmem:s15+$0xA0]  }
0x2b: {  	v1 =	vadd.f32 v12, v1;
	v12 =	vld [tilespmem:s15+$0xD0]  }
0x2c: {  	v16 =	vld [tilespmem:s15+$0xB0]  }
0x2d: {  	v17 =	vld [tilespmem:s15+$0xC0];
	v7 =	vadd.f32 v7, v9;
	v5 =	vadd.f32 v13, v5  }
0x2e: {  	v9 =	vld [tilespmem:s15+$0xF0];
	v3 =	vadd.f32 v8, v3;
	v4 =	vadd.f32 v14, v4  }
0x2f: {  	v6 =	vadd.f32 v10, v6;
	v10 =	vld [tilespmem:s15+$0xE0];
	v1 =	vadd.f32 v15, v1;
	v5 =	vmul.f32 $3.125000000e-02, v5  }
0x30: {  	v3 =	vadd.f32 v12, v3;
	v4 =	vmul.f32 $3.125000000e-02, v4  }
0x31: {  	v6 =	vadd.f32 v16, v6;
	v1 =	vmul.f32 $3.125000000e-02, v1;
	[tilespmem:$0x4080] =	vst v5  }
0x32: {  	v2 =	vadd.f32 v11, v2;
	v7 =	vadd.f32 v17, v7;
	v3 =	vmul.f32 $3.125000000e-02, v3;
	[tilespmem:$0x4090] =	vst v4  }
0x33: {  	v0 =	vadd.f32 v9, v0;
	v4 =	vmul.f32 $3.125000000e-02, v6;
	[tilespmem:$0x40A0] =	vst v1  }
0x34: {  	v2 =	vadd.f32 v10, v2;
	v1 =	vmul.f32 $3.125000000e-02, v7;
	[tilespmem:$0x40D0] =	vst v3  }
0x35: {  	v0 =	vmul.f32 $3.125000000e-02, v0;
	[tilespmem:$0x40B0] =	vst v4  }
0x36: {  	[tilespmem:$0x40C0] =	vst v1;
	v1 =	vmul.f32 $3.125000000e-02, v2  }
0x37: {  	[tilespmem:$0x40F0] =	vst v0  }
0x38: {  	s17 =	simm.s32 $0x0;
	[tilespmem:$0x40E0] =	vst v1  }
0x39: {  	v0 =	vld [tilespmem:s17+$0x10F0]  }
0x3a: {  	v2 =	vld [tilespmem:s17+$0x1080]  }
0x3b: {  	v3 =	vld [tilespmem:s17+$0x1090]  }
0x3c: {  	v12 =	vld [tilespmem:s17+$0x10A0]  }
0x3d: {  	v10 =	vld [tilespmem:s17+$0x10B0]  }
0x3e: {  	v9 =	vimm.f32 $0.0e+00;
	v1 =	vimm.f32 $0.0e+00;
	v7 =	vld [tilespmem:s17+$0x10C0]  }
0x3f: {  	v6 =	vimm.f32 $0.0e+00;
	v8 =	vld [tilespmem:s17+$0x10D0];
	v0 =	vadd.f32 v0, v1;
	v5 =	vadd.f32 v2, v1  }
0x40: {  	s16 =	simm.s32 $0x400;
	s15 =	simm.s32 $0x80;
	v11 =	vld [tilespmem:s17+$0x10E0];
	v4 =	vadd.f32 v3, v1;
	v3 =	vimm.f32 $0.0e+00;
	v2 =	vimm.f32 $0.0e+00  }
.LBB2_5:
0x41: {  	p0 =	sne.s32 s16, $0x3E00;
	v13 =	vld [tilespmem:s15+$0x10F0];
	v1 =	vadd.f32 v12, v1  }
0x42: {  	v14 =	vld [tilespmem:s15+$0x1080];
	v6 =	vadd.f32 v10, v6  }
0x43: {  	v15 =	vld [tilespmem:s15+$0x1090];
	v9 =	vadd.f32 v7, v9  }
.Ltmp1:
0x44: {  	v12 =	vld [tilespmem:s15+$0x10A0];
	v3 =	vadd.f32 v8, v3;
	(pc) =	sbr.rel @p0 .LBB2_5-.Ltmp1, $4  }
0x45: {  	v10 =	vld [tilespmem:s15+$0x10B0];
	v2 =	vadd.f32 v11, v2  }
0x46: {  	v7 =	vld [tilespmem:s15+$0x10C0];
	v0 =	vadd.f32 v13, v0  }
0x47: {  	v5 =	vadd.f32 v14, v5;
	v8 =	vld [tilespmem:s15+$0x10D0]  }
0x48: {  	v4 =	vadd.f32 v15, v4;
	v11 =	vld [tilespmem:s15+$0x10E0];
	s15 =	sshra.s32 s16, $0x2;
	s16 =	sadd.s32 $0x200, s16  }
0x49: {  	v13 =	vld [tilespmem:s15+$0x1080]  }
0x4a: {  	v14 =	vld [tilespmem:s15+$0x1090]  }
0x4b: {  	v15 =	vld [tilespmem:s15+$0x10A0]  }
0x4c: {  	v1 =	vadd.f32 v12, v1;
	v12 =	vld [tilespmem:s15+$0x10D0]  }
0x4d: {  	v16 =	vld [tilespmem:s15+$0x10B0]  }
0x4e: {  	v17 =	vld [tilespmem:s15+$0x10C0];
	v7 =	vadd.f32 v7, v9;
	v5 =	vadd.f32 v13, v5  }
0x4f: {  	v9 =	vld [tilespmem:s15+$0x10F0];
	v3 =	vadd.f32 v8, v3;
	v4 =	vadd.f32 v14, v4  }
0x50: {  	v6 =	vadd.f32 v10, v6;
	v10 =	vld [tilespmem:s15+$0x10E0];
	v1 =	vadd.f32 v15, v1;
	v5 =	vmul.f32 $3.125000000e-02, v5  }
0x51: {  	v3 =	vadd.f32 v12, v3;
	v4 =	vmul.f32 $3.125000000e-02, v4  }
0x52: {  	v6 =	vadd.f32 v16, v6;
	v1 =	vmul.f32 $3.125000000e-02, v1;
	[tilespmem:$0x4100] =	vst v5  }
0x53: {  	v2 =	vadd.f32 v11, v2;
	v7 =	vadd.f32 v17, v7;
	v3 =	vmul.f32 $3.125000000e-02, v3;
	[tilespmem:$0x4110] =	vst v4  }
0x54: {  	v0 =	vadd.f32 v9, v0;
	v4 =	vmul.f32 $3.125000000e-02, v6;
	[tilespmem:$0x4120] =	vst v1  }
0x55: {  	v2 =	vadd.f32 v10, v2;
	v1 =	vmul.f32 $3.125000000e-02, v7;
	[tilespmem:$0x4150] =	vst v3  }
0x56: {  	v0 =	vmul.f32 $3.125000000e-02, v0;
	[tilespmem:$0x4130] =	vst v4  }
0x57: {  	[tilespmem:$0x4140] =	vst v1;
	v1 =	vmul.f32 $3.125000000e-02, v2  }
0x58: {  	[tilespmem:$0x4170] =	vst v0  }
0x59: {  	s17 =	simm.s32 $0x0;
	[tilespmem:$0x4160] =	vst v1  }
0x5a: {  	v0 =	vld [tilespmem:s17+$0x20F0]  }
0x5b: {  	v2 =	vld [tilespmem:s17+$0x2080]  }
0x5c: {  	v3 =	vld [tilespmem:s17+$0x2090]  }
0x5d: {  	v12 =	vld [tilespmem:s17+$0x20A0]  }
0x5e: {  	v10 =	vld [tilespmem:s17+$0x20B0]  }
0x5f: {  	v9 =	vimm.f32 $0.0e+00;
	v1 =	vimm.f32 $0.0e+00;
	v7 =	vld [tilespmem:s17+$0x20C0]  }
0x60: {  	v6 =	vimm.f32 $0.0e+00;
	v8 =	vld [tilespmem:s17+$0x20D0];
	v0 =	vadd.f32 v0, v1;
	v5 =	vadd.f32 v2, v1  }
0x61: {  	s16 =	simm.s32 $0x400;
	s15 =	simm.s32 $0x80;
	v11 =	vld [tilespmem:s17+$0x20E0];
	v4 =	vadd.f32 v3, v1;
	v3 =	vimm.f32 $0.0e+00;
	v2 =	vimm.f32 $0.0e+00  }
.LBB2_7:
0x62: {  	p0 =	sne.s32 s16, $0x3E00;
	v13 =	vld [tilespmem:s15+$0x20F0];
	v1 =	vadd.f32 v12, v1  }
0x63: {  	v14 =	vld [tilespmem:s15+$0x2080];
	v6 =	vadd.f32 v10, v6  }
0x64: {  	v15 =	vld [tilespmem:s15+$0x2090];
	v9 =	vadd.f32 v7, v9  }
.Ltmp2:
0x65: {  	v12 =	vld [tilespmem:s15+$0x20A0];
	v3 =	vadd.f32 v8, v3;
	(pc) =	sbr.rel @p0 .LBB2_7-.Ltmp2, $4  }
0x66: {  	v10 =	vld [tilespmem:s15+$0x20B0];
	v2 =	vadd.f32 v11, v2  }
0x67: {  	v7 =	vld [tilespmem:s15+$0x20C0];
	v0 =	vadd.f32 v13, v0  }
0x68: {  	v5 =	vadd.f32 v14, v5;
	v8 =	vld [tilespmem:s15+$0x20D0]  }
0x69: {  	v4 =	vadd.f32 v15, v4;
	v11 =	vld [tilespmem:s15+$0x20E0];
	s15 =	sshra.s32 s16, $0x2;
	s16 =	sadd.s32 $0x200, s16  }
0x6a: {  	v13 =	vld [tilespmem:s15+$0x2080]  }
0x6b: {  	v14 =	vld [tilespmem:s15+$0x2090]  }
0x6c: {  	v15 =	vld [tilespmem:s15+$0x20A0]  }
0x6d: {  	v1 =	vadd.f32 v12, v1;
	v12 =	vld [tilespmem:s15+$0x20D0]  }
0x6e: {  	v16 =	vld [tilespmem:s15+$0x20B0]  }
0x6f: {  	v17 =	vld [tilespmem:s15+$0x20C0];
	v7 =	vadd.f32 v7, v9;
	v5 =	vadd.f32 v13, v5  }
0x70: {  	v9 =	vld [tilespmem:s15+$0x20F0];
	v3 =	vadd.f32 v8, v3;
	v4 =	vadd.f32 v14, v4  }
0x71: {  	v6 =	vadd.f32 v10, v6;
	v10 =	vld [tilespmem:s15+$0x20E0];
	v1 =	vadd.f32 v15, v1;
	v5 =	vmul.f32 $3.125000000e-02, v5  }
0x72: {  	v3 =	vadd.f32 v12, v3;
	v4 =	vmul.f32 $3.125000000e-02, v4  }
0x73: {  	v6 =	vadd.f32 v16, v6;
	v1 =	vmul.f32 $3.125000000e-02, v1;
	[tilespmem:$0x4180] =	vst v5  }
0x74: {  	v2 =	vadd.f32 v11, v2;
	v7 =	vadd.f32 v17, v7;
	v3 =	vmul.f32 $3.125000000e-02, v3;
	[tilespmem:$0x4190] =	vst v4  }
0x75: {  	v0 =	vadd.f32 v9, v0;
	v4 =	vmul.f32 $3.125000000e-02, v6;
	[tilespmem:$0x41A0] =	vst v1  }
0x76: {  	v2 =	vadd.f32 v10, v2;
	v1 =	vmul.f32 $3.125000000e-02, v7;
	[tilespmem:$0x41D0] =	vst v3  }
0x77: {  	v0 =	vmul.f32 $3.125000000e-02, v0;
	[tilespmem:$0x41B0] =	vst v4  }
0x78: {  	[tilespmem:$0x41C0] =	vst v1;
	v1 =	vmul.f32 $3.125000000e-02, v2  }
0x79: {  	[tilespmem:$0x41F0] =	vst v0  }
0x7a: {  	s17 =	simm.s32 $0x0;
	[tilespmem:$0x41E0] =	vst v1  }
0x7b: {  	v0 =	vld [tilespmem:s17+$0x30F0]  }
0x7c: {  	v2 =	vld [tilespmem:s17+$0x3080]  }
0x7d: {  	v3 =	vld [tilespmem:s17+$0x3090]  }
0x7e: {  	v12 =	vld [tilespmem:s17+$0x30A0]  }
0x7f: {  	v10 =	vld [tilespmem:s17+$0x30B0]  }
0x80: {  	v9 =	vimm.f32 $0.0e+00;
	v1 =	vimm.f32 $0.0e+00;
	v7 =	vld [tilespmem:s17+$0x30C0]  }
0x81: {  	v6 =	vimm.f32 $0.0e+00;
	v8 =	vld [tilespmem:s17+$0x30D0];
	v0 =	vadd.f32 v0, v1;
	v5 =	vadd.f32 v2, v1  }
0x82: {  	s16 =	simm.s32 $0x400;
	s15 =	simm.s32 $0x80;
	v11 =	vld [tilespmem:s17+$0x30E0];
	v4 =	vadd.f32 v3, v1;
	v3 =	vimm.f32 $0.0e+00;
	v2 =	vimm.f32 $0.0e+00  }
.LBB2_9:
0x83: {  	p0 =	sne.s32 s16, $0x3E00;
	v13 =	vld [tilespmem:s15+$0x30F0];
	v1 =	vadd.f32 v12, v1  }
0x84: {  	v14 =	vld [tilespmem:s15+$0x3080];
	v6 =	vadd.f32 v10, v6  }
0x85: {  	v15 =	vld [tilespmem:s15+$0x3090];
	v9 =	vadd.f32 v7, v9  }
.Ltmp3:
0x86: {  	v12 =	vld [tilespmem:s15+$0x30A0];
	v3 =	vadd.f32 v8, v3;
	(pc) =	sbr.rel @p0 .LBB2_9-.Ltmp3, $4  }
0x87: {  	v10 =	vld [tilespmem:s15+$0x30B0];
	v2 =	vadd.f32 v11, v2  }
0x88: {  	v7 =	vld [tilespmem:s15+$0x30C0];
	v0 =	vadd.f32 v13, v0  }
0x89: {  	v5 =	vadd.f32 v14, v5;
	v8 =	vld [tilespmem:s15+$0x30D0]  }
0x8a: {  	v4 =	vadd.f32 v15, v4;
	v11 =	vld [tilespmem:s15+$0x30E0];
	s15 =	sshra.s32 s16, $0x2;
	s16 =	sadd.s32 $0x200, s16  }
0x8b: {  	v13 =	vld [tilespmem:s15+$0x3080]  }
0x8c: {  	v14 =	vld [tilespmem:s15+$0x3090]  }
0x8d: {  	v15 =	vld [tilespmem:s15+$0x30A0]  }
0x8e: {  	v16 =	vld [tilespmem:s15+$0x30B0]  }
0x8f: {  	v17 =	vld [tilespmem:s15+$0x30C0]  }
0x90: {  	v1 =	vadd.f32 v12, v1;
	v58 =	vld [tilespmem:s15+$0x30D0];
	v5 =	vadd.f32 v13, v5  }
0x91: {  	v60 =	vld [tilespmem:s15+$0x30F0];
	v6 =	vadd.f32 v10, v6;
	v4 =	vadd.f32 v14, v4  }
0x92: {  	v59 =	vld [tilespmem:s15+$0x30E0];
	v7 =	vadd.f32 v7, v9;
	v1 =	vadd.f32 v15, v1;
	v5 =	vmul.f32 $3.125000000e-02, v5  }
0x93: {  	v3 =	vadd.f32 v8, v3;
	v6 =	vadd.f32 v16, v6;
	v4 =	vmul.f32 $3.125000000e-02, v4  }
0x94: {  	v7 =	vadd.f32 v17, v7;
	v1 =	vmul.f32 $3.125000000e-02, v1;
	[tilespmem:$0x4200] =	vst v5  }
0x95: {  	v2 =	vadd.f32 v11, v2;
	v3 =	vadd.f32 v58, v3;
	v61 =	vmul.f32 $3.125000000e-02, v6;
	[tilespmem:$0x4210] =	vst v4  }
0x96: {  	v0 =	vadd.f32 v60, v0;
	v62 =	vmul.f32 $3.125000000e-02, v7;
	[tilespmem:$0x4220] =	vst v1  }
0x97: {  	v2 =	vadd.f32 v59, v2;
	v3 =	vmul.f32 $3.125000000e-02, v3;
	[tilespmem:$0x4230] =	vst v61  }
0x98: {  	s31 =	sshll.u32 s13, $0x6;
	v0 =	vmul.f32 $3.125000000e-02, v0;
	[tilespmem:$0x4240] =	vst v62  }
0x99: {  	s14 =	sshll.u32 s14, $0x4;
	s13 =	sadd.s32 $0x1, s13;
	s15 =	sand.u32 $0x40, s31;
	v63 =	vmul.f32 $3.125000000e-02, v2;
	[tilespmem:$0x4250] =	vst v3  }
0x9a: {  	s14 =	sand.u32 $0x3FF80, s14;
	p0 =	sne.s32 s13, $0x80;
	s15 =	sadd.s32 s2, s15;
	[tilespmem:$0x4270] =	vst v0  }
.Ltmp4:
0x9b: {  	s14 =	sadd.s32 s14, s15;
	[tilespmem:$0x4260] =	vst v63;
	(pc) =	sbr.rel @p0 .LBB2_2-.Ltmp4, $4  }
0x9c: {  	[hbm4b:s14+s3] =	stream.linear.scatter [tilespmem:s11], [sflag:$0x2], $0x200, $0x38;
	[tilespmem:$0x4280] =	vst v63  }
0x9d: {  	_ =	swait.ge [sflag:s8], $0x200  }
0x9e: {  	[sflag:s8] =	ssyncset.done $0x0  }
0x9f: {  	[sflag:s8] =	ssyncadd.s32 $0xFFFFFE00  }
0xa0: {  	s12 =	sadd.s32 $0x1, s12  }
0xa1: {  	p0 =	sne.s32 s12, s7  }
.Ltmp5:
0xa2: {  	_ = 	snop;
	(pc) =	sbr.rel @p0 .LBB2_1-.Ltmp5, $1  }
0xa3: {  	_ =	sdelay $0x3  }
0xa4: {  	_ =	sfence.sel $0x180000  }
0xa5: {  	[bflag:$0x0] =	sbarrier.arrive $0xFFFF  }
0xa6: {  	p0 =	sne.s32 s4, $0x0;
	_ =	strace $0x90000047  }
0xa7: {  	s0 =	sadd.s32 @!p0 $0x100000, s0;
	[bflag:$0x2] =	sbarrier.arrive $0xFFFF  }
0xa8: {  	[sflag:s0] =	ssyncadd.tile.s32 @!p0 $0x1;
	_ =	shalt  }
.Lfunc_end2:
_tile_overlayer_lowered:
.L_overlay_start_2:
0xa9: {  	(tag) =	ssettag $0x2  }
0xaa: {  	s0 =	rddreg [dreg:$0x0];
	s2 =	stileid.u32  }
0xab: {  	s1 =	rddreg [dreg:$0x1];
	p0 =	sne.s32 s2, $0x0  }
0xac: {  	s3 =	rddreg [dreg:$0x2];
	[bflag:$0x3] =	sbarrier.arrive $0xFFFF;
	s2 =	simm.s32 @!p0 $0x1C02  }
0xad: {  	[timem:s3], [sflag:s2] =	dma.local @!p0 [hbm:s0], s1  }
0xae: {  	s0 =	simm.s32 @!p0 $0x2  }
0xaf: {  	_ =	swait.ge @!p0 [sflag:s0], s1  }
0xb0: {  	s1 =	ssub.s32 @!p0 $0x0, s1;
	[sflag:s0] =	ssyncset.done @!p0 $0x0  }
0xb1: {  	[sflag:s0] =	ssyncadd.s32 @!p0 s1  }
0xb2: {  	[bflag:$0x3] =	sbarrier.arrive $0xFFFF  }
0xb3: {  	_ =	shalt  }

</sc_bundles>
